<compile_context>
chip_gen: v7x
topology: tpu7x:2x2x1
jax: 0.10.2.dev20260603
libtpu: 0.0.44.dev20260713+nightly
codegen_flags: <defaults>
</compile_context>

<pallas_src>
import functools

import jax
import jax.numpy as jnp
from jax import lax
from jax.experimental import pallas as pl
from jax.experimental.pallas import tpu as pltpu
from jax.experimental.pallas import tpu_sc as plsc

N_NODES = 10000
N_EDGES = 320000
FEAT = 128

NC = 2
NS = 16
BATCH = 128
ROWS_C0 = 146
ROWS_C1 = 12
PHASE = 40
PHASES_C0 = (40, 40, 40, 26)
E_PAD = NS * (ROWS_C0 + ROWS_C1) * BATCH
ACC_ROWS = 10112
OUT_PER_TILE = ACC_ROWS // NS


def _sc_body(
    x_hbm, src0_hbm, dst0_hbm, src1_hbm, dst1_hbm, out_hbm, sidx, didx,
    rows_a, rows_b, accum, sem_a, sem_b,
):
    c = lax.axis_index("c")
    s = lax.axis_index("s")

    def _zero_row(r, _):
        for cc in range(FEAT // 16):
            rows_a[r, pl.ds(cc * 16, 16)] = jnp.zeros((16,), jnp.float32)
        return 0

    lax.fori_loop(0, BATCH, _zero_row, 0)
    off = 0
    while off < OUT_PER_TILE:
        sz = min(BATCH, OUT_PER_TILE - off)
        pltpu.sync_copy(
            rows_a.at[pl.ds(0, sz)], accum.at[pl.ds(s * OUT_PER_TILE + off, sz)]
        )
        off += sz
    plsc.subcore_barrier()

    def _step_pair(p, _):
        j0 = 2 * p
        j1 = j0 + 1
        pltpu.make_async_copy(x_hbm.at[sidx.at[j0]], rows_a, sem_a).wait()
        pltpu.sync_copy(rows_a, accum.at[didx.at[j0]], add=True)
        pltpu.async_copy(x_hbm.at[sidx.at[j0 + 2]], rows_a, sem_a)
        pltpu.make_async_copy(x_hbm.at[sidx.at[j1]], rows_b, sem_b).wait()
        pltpu.sync_copy(rows_b, accum.at[didx.at[j1]], add=True)
        pltpu.async_copy(x_hbm.at[sidx.at[j1 + 2]], rows_b, sem_b)
        return 0

    def _step_serial(j, _):
        pltpu.async_copy(x_hbm.at[sidx.at[j]], rows_a, sem_a).wait()
        pltpu.sync_copy(rows_a, accum.at[didx.at[j]], add=True)
        return 0

    @pl.when(c == 0)
    def _fast():
        base = 0
        for ph_n in PHASES_C0:
            pltpu.sync_copy(
                src0_hbm.at[s, pl.ds(base, ph_n)], sidx.at[pl.ds(0, ph_n)]
            )
            pltpu.sync_copy(
                dst0_hbm.at[s, pl.ds(base, ph_n)], didx.at[pl.ds(0, ph_n)]
            )
            pltpu.async_copy(x_hbm.at[sidx.at[0]], rows_a, sem_a)
            pltpu.async_copy(x_hbm.at[sidx.at[1]], rows_b, sem_b)
            lax.fori_loop(0, ph_n // 2 - 1, _step_pair, 0)
            jlast = ph_n - 2
            pltpu.make_async_copy(x_hbm.at[sidx.at[jlast]], rows_a, sem_a).wait()
            pltpu.sync_copy(rows_a, accum.at[didx.at[jlast]], add=True)
            pltpu.make_async_copy(
                x_hbm.at[sidx.at[jlast + 1]], rows_b, sem_b
            ).wait()
            pltpu.sync_copy(rows_b, accum.at[didx.at[jlast + 1]], add=True)
            base += ph_n

    @pl.when(c == 1)
    def _slow():
        pltpu.sync_copy(src1_hbm.at[s], sidx.at[pl.ds(0, ROWS_C1)])
        pltpu.sync_copy(dst1_hbm.at[s], didx.at[pl.ds(0, ROWS_C1)])
        lax.fori_loop(0, ROWS_C1, _step_serial, 0)

    plsc.subcore_barrier()

    pltpu.sync_copy(
        accum.at[pl.ds(s * OUT_PER_TILE, OUT_PER_TILE)],
        out_hbm.at[c, pl.ds(s * OUT_PER_TILE, OUT_PER_TILE)],
    )


@jax.jit
def _sc_spmm(x, src0, dst0, src1, dst1):
    mesh = plsc.VectorSubcoreMesh(core_axis_name="c", subcore_axis_name="s")
    return pl.kernel(
        _sc_body,
        out_type=jax.ShapeDtypeStruct((NC, ACC_ROWS, FEAT), jnp.float32),
        mesh=mesh,
        scratch_types=[
            pltpu.VMEM((PHASE, BATCH), jnp.int32),
            pltpu.VMEM((PHASE, BATCH), jnp.int32),
            pltpu.VMEM((BATCH, FEAT), jnp.float32),
            pltpu.VMEM((BATCH, FEAT), jnp.float32),
            pltpu.VMEM_SHARED((ACC_ROWS, FEAT), jnp.float32),
            pltpu.SemaphoreType.DMA,
            pltpu.SemaphoreType.DMA,
        ],
    )(x, src0, dst0, src1, dst1)


def _tc_body(p0_ref, p1_ref, w_ref, b_ref, o_ref):
    h = p0_ref[0] + p1_ref[0]
    o_ref[...] = (
        jnp.dot(h, w_ref[...], preferred_element_type=jnp.float32) + b_ref[...]
    )


@jax.jit
def _tc_combine(partial, W, b):
    blk = 1000
    grid = (N_NODES // blk,)
    return pl.pallas_call(
        _tc_body,
        grid=grid,
        in_specs=[
            pl.BlockSpec((1, blk, FEAT), lambda i: (0, i, 0)),
            pl.BlockSpec((1, blk, FEAT), lambda i: (1, i, 0)),
            pl.BlockSpec((FEAT, FEAT), lambda i: (0, 0)),
            pl.BlockSpec((1, FEAT), lambda i: (0, 0)),
        ],
        out_specs=pl.BlockSpec((blk, FEAT), lambda i: (i, 0)),
        out_shape=jax.ShapeDtypeStruct((N_NODES, FEAT), jnp.float32),
    )(partial, partial, W, b)


def kernel(x, edge_index, W, b):
    src = edge_index[0].astype(jnp.int32)
    dst = edge_index[1].astype(jnp.int32)
    pad = E_PAD - N_EDGES
    src_p = jnp.concatenate([src, jnp.zeros((pad,), jnp.int32)])
    dst_p = jnp.concatenate([dst, jnp.full((pad,), N_NODES, jnp.int32)])
    n0 = NS * ROWS_C0 * BATCH
    src0 = src_p[:n0].reshape(NS, ROWS_C0, BATCH)
    dst0 = dst_p[:n0].reshape(NS, ROWS_C0, BATCH)
    src1 = src_p[n0:].reshape(NS, ROWS_C1, BATCH)
    dst1 = dst_p[n0:].reshape(NS, ROWS_C1, BATCH)
    partial = _sc_spmm(x, src0, dst0, src1, dst1)
    return _tc_combine(partial, W, b)

# --- scband reference (transcript-rebuilt; emitter-appended) ---
"""Pipeline reference for scband-graph-conv-73933567034039 (READ-ONLY COPY).

The authoritative reference and input builder live on the scoring server;
editing this copy changes nothing except your own understanding.
"""

import jax, jax.numpy as jnp
import numpy as np

N_NODES = 10000
N_EDGES = 320000
IN_FEATURES = 128
OUT_FEATURES = 128

def setup_inputs(seed: int = 0) -> dict:
    key = jax.random.key(seed)
    k1, k2, k3, k4 = jax.random.split(key, 4)
    x = jax.random.normal(k1, (N_NODES, IN_FEATURES), dtype=jnp.float32)
    edge_index = jax.random.randint(k2, (2, N_EDGES), 0, N_NODES, dtype=jnp.int64)
    stdv = 1.0 / np.sqrt(OUT_FEATURES)
    W = jax.random.uniform(k3, (IN_FEATURES, OUT_FEATURES), dtype=jnp.float32, minval=-stdv, maxval=stdv)
    b = jax.random.uniform(k4, (1, OUT_FEATURES), dtype=jnp.float32, minval=-stdv, maxval=stdv)
    return {"x": x, "edge_index": edge_index, "W": W, "b": b}

def reference(x, edge_index, W, b):
    # h = input @ weight
    h = jnp.dot(x, W)
    # output = spmm(adj, h): adj represented as edge list; out[dst] += h[src]
    src = edge_index[0]
    dst = edge_index[1]
    messages = jnp.take(h, src, axis=0)
    output = jax.ops.segment_sum(messages, dst, num_segments=x.shape[0])
    # bias add
    return output + b

if __name__ == "__main__":
    import jax
    _d = setup_inputs()
    print(jax.jit(kernel)(*tuple(_d.values())))

</pallas_src>

<mosaic_0001>
#map = affine_map<(d0, d1) -> (0, 0)>
#map1 = affine_map<(d0, d1) -> (0, 0, 0)>
module attributes {stable_mosaic.version = 14 : i64} {
  func.func @_sc_body(%arg0: i32, %arg1: i32, %arg2: memref<10000x128xf32, #tpu.memory_space<hbm>>, %arg3: memref<16x146x128xi32, #tpu.memory_space<hbm>>, %arg4: memref<16x146x128xi32, #tpu.memory_space<hbm>>, %arg5: memref<16x12x128xi32, #tpu.memory_space<hbm>>, %arg6: memref<16x12x128xi32, #tpu.memory_space<hbm>>, %arg7: memref<2x10112x128xf32, #tpu.memory_space<hbm>>, %arg8: memref<40x128xi32, #tpu.memory_space<vmem>>, %arg9: memref<40x128xi32, #tpu.memory_space<vmem>>, %arg10: memref<128x128xf32, #tpu.memory_space<vmem>>, %arg11: memref<128x128xf32, #tpu.memory_space<vmem>>, %arg12: memref<10112x128xf32, #tpu.memory_space<vmem_shared>>, %arg13: memref<!tpu.dma_semaphore, #tpu.memory_space<semaphore_mem>>, %arg14: memref<!tpu.dma_semaphore, #tpu.memory_space<semaphore_mem>>) attributes {dimension_semantics = [#tpu.dimension_semantics<core_parallel>, #tpu.dimension_semantics<subcore_parallel>], iteration_bounds = array<i64: 2, 16>, scalar_prefetch = 0 : i64, scratch_operands = 7 : i64, tpu.core_type = #tpu.core_type<sc_vector_subcore>, window_params = [{transform_indices = #map}, {transform_indices = #map1}, {transform_indices = #map1}, {transform_indices = #map1}, {transform_indices = #map1}, {transform_indices = #map1}]} {
    %scan3A = arith.constant 0 : i32
    %scan3A_0 = arith.constant 0 : i32
    %scan3A_1 = arith.constant 128 : i32
    %scan3A_2 = arith.addi %scan3A_0, %scan3A_1 : i32
    %scan3A_3 = arith.constant 1 : i32
    %scan3A_4 = scf.for %scan3A_36 = %scan3A_0 to %scan3A_2 step %scan3A_3 iter_args(%scan3A_37 = %scan3A) -> (i32)  : i32 {
      %broadcast_in_dim3A = arith.constant 0.000000e+00 : f32
      %broadcast_in_dim3A_38 = vector.broadcast %broadcast_in_dim3A : f32 to vector<16xf32>
      %swap3A = arith.index_cast %scan3A_36 : i32 to index
      %swap3A_39 = arith.constant 0 : index
      %swap3A_40 = tpu.vector_load %arg10[%swap3A, %swap3A_39] {strides = array<i32>} : memref<128x128xf32, #tpu.memory_space<vmem>>, vector<1x16xf32>,
      %swap3A_41 = vector.shape_cast %swap3A_40 : vector<1x16xf32> to vector<16xf32>
      %swap3A_42 = vector.shape_cast %broadcast_in_dim3A_38 : vector<16xf32> to vector<1x16xf32>
      tpu.vector_store %arg10[%swap3A, %swap3A_39], %swap3A_42 {strides = array<i32>} : memref<128x128xf32, #tpu.memory_space<vmem>>, vector<1x16xf32>,
      %broadcast_in_dim3A_43 = arith.constant 0.000000e+00 : f32
      %broadcast_in_dim3A_44 = vector.broadcast %broadcast_in_dim3A_43 : f32 to vector<16xf32>
      %swap3A_45 = arith.index_cast %scan3A_36 : i32 to index
      %swap3A_46 = arith.constant 16 : index
      %swap3A_47 = tpu.vector_load %arg10[%swap3A_45, %swap3A_46] {strides = array<i32>} : memref<128x128xf32, #tpu.memory_space<vmem>>, vector<1x16xf32>,
      %swap3A_48 = vector.shape_cast %swap3A_47 : vector<1x16xf32> to vector<16xf32>
      %swap3A_49 = vector.shape_cast %broadcast_in_dim3A_44 : vector<16xf32> to vector<1x16xf32>
      tpu.vector_store %arg10[%swap3A_45, %swap3A_46], %swap3A_49 {strides = array<i32>} : memref<128x128xf32, #tpu.memory_space<vmem>>, vector<1x16xf32>,
      %broadcast_in_dim3A_50 = arith.constant 0.000000e+00 : f32
      %broadcast_in_dim3A_51 = vector.broadcast %broadcast_in_dim3A_50 : f32 to vector<16xf32>
      %swap3A_52 = arith.index_cast %scan3A_36 : i32 to index
      %swap3A_53 = arith.constant 32 : index
      %swap3A_54 = tpu.vector_load %arg10[%swap3A_52, %swap3A_53] {strides = array<i32>} : memref<128x128xf32, #tpu.memory_space<vmem>>, vector<1x16xf32>,
      %swap3A_55 = vector.shape_cast %swap3A_54 : vector<1x16xf32> to vector<16xf32>
      %swap3A_56 = vector.shape_cast %broadcast_in_dim3A_51 : vector<16xf32> to vector<1x16xf32>
      tpu.vector_store %arg10[%swap3A_52, %swap3A_53], %swap3A_56 {strides = array<i32>} : memref<128x128xf32, #tpu.memory_space<vmem>>, vector<1x16xf32>,
      %broadcast_in_dim3A_57 = arith.constant 0.000000e+00 : f32
      %broadcast_in_dim3A_58 = vector.broadcast %broadcast_in_dim3A_57 : f32 to vector<16xf32>
      %swap3A_59 = arith.index_cast %scan3A_36 : i32 to index
      %swap3A_60 = arith.constant 48 : index
      %swap3A_61 = tpu.vector_load %arg10[%swap3A_59, %swap3A_60] {strides = array<i32>} : memref<128x128xf32, #tpu.memory_space<vmem>>, vector<1x16xf32>,
      %swap3A_62 = vector.shape_cast %swap3A_61 : vector<1x16xf32> to vector<16xf32>
      %swap3A_63 = vector.shape_cast %broadcast_in_dim3A_58 : vector<16xf32> to vector<1x16xf32>
      tpu.vector_store %arg10[%swap3A_59, %swap3A_60], %swap3A_63 {strides = array<i32>} : memref<128x128xf32, #tpu.memory_space<vmem>>, vector<1x16xf32>,
      %broadcast_in_dim3A_64 = arith.constant 0.000000e+00 : f32
      %broadcast_in_dim3A_65 = vector.broadcast %broadcast_in_dim3A_64 : f32 to vector<16xf32>
      %swap3A_66 = arith.index_cast %scan3A_36 : i32 to index
      %swap3A_67 = arith.constant 64 : index
      %swap3A_68 = tpu.vector_load %arg10[%swap3A_66, %swap3A_67] {strides = array<i32>} : memref<128x128xf32, #tpu.memory_space<vmem>>, vector<1x16xf32>,
      %swap3A_69 = vector.shape_cast %swap3A_68 : vector<1x16xf32> to vector<16xf32>
      %swap3A_70 = vector.shape_cast %broadcast_in_dim3A_65 : vector<16xf32> to vector<1x16xf32>
      tpu.vector_store %arg10[%swap3A_66, %swap3A_67], %swap3A_70 {strides = array<i32>} : memref<128x128xf32, #tpu.memory_space<vmem>>, vector<1x16xf32>,
      %broadcast_in_dim3A_71 = arith.constant 0.000000e+00 : f32
      %broadcast_in_dim3A_72 = vector.broadcast %broadcast_in_dim3A_71 : f32 to vector<16xf32>
      %swap3A_73 = arith.index_cast %scan3A_36 : i32 to index
      %swap3A_74 = arith.constant 80 : index
      %swap3A_75 = tpu.vector_load %arg10[%swap3A_73, %swap3A_74] {strides = array<i32>} : memref<128x128xf32, #tpu.memory_space<vmem>>, vector<1x16xf32>,
      %swap3A_76 = vector.shape_cast %swap3A_75 : vector<1x16xf32> to vector<16xf32>
      %swap3A_77 = vector.shape_cast %broadcast_in_dim3A_72 : vector<16xf32> to vector<1x16xf32>
      tpu.vector_store %arg10[%swap3A_73, %swap3A_74], %swap3A_77 {strides = array<i32>} : memref<128x128xf32, #tpu.memory_space<vmem>>, vector<1x16xf32>,
      %broadcast_in_dim3A_78 = arith.constant 0.000000e+00 : f32
      %broadcast_in_dim3A_79 = vector.broadcast %broadcast_in_dim3A_78 : f32 to vector<16xf32>
      %swap3A_80 = arith.index_cast %scan3A_36 : i32 to index
      %swap3A_81 = arith.constant 96 : index
      %swap3A_82 = tpu.vector_load %arg10[%swap3A_80, %swap3A_81] {strides = array<i32>} : memref<128x128xf32, #tpu.memory_space<vmem>>, vector<1x16xf32>,
      %swap3A_83 = vector.shape_cast %swap3A_82 : vector<1x16xf32> to vector<16xf32>
      %swap3A_84 = vector.shape_cast %broadcast_in_dim3A_79 : vector<16xf32> to vector<1x16xf32>
      tpu.vector_store %arg10[%swap3A_80, %swap3A_81], %swap3A_84 {strides = array<i32>} : memref<128x128xf32, #tpu.memory_space<vmem>>, vector<1x16xf32>,
      %broadcast_in_dim3A_85 = arith.constant 0.000000e+00 : f32
      %broadcast_in_dim3A_86 = vector.broadcast %broadcast_in_dim3A_85 : f32 to vector<16xf32>
      %swap3A_87 = arith.index_cast %scan3A_36 : i32 to index
      %swap3A_88 = arith.constant 112 : index
      %swap3A_89 = tpu.vector_load %arg10[%swap3A_87, %swap3A_88] {strides = array<i32>} : memref<128x128xf32, #tpu.memory_space<vmem>>, vector<1x16xf32>,
      %swap3A_90 = vector.shape_cast %swap3A_89 : vector<1x16xf32> to vector<16xf32>
      %swap3A_91 = vector.shape_cast %broadcast_in_dim3A_86 : vector<16xf32> to vector<1x16xf32>
      tpu.vector_store %arg10[%swap3A_87, %swap3A_88], %swap3A_91 {strides = array<i32>} : memref<128x128xf32, #tpu.memory_space<vmem>>, vector<1x16xf32>,
      %scan3A_92 = arith.constant 0 : i32
      scf.yield %scan3A_92 : i32
    }
    %scan3A_5 = arith.constant 128 : i32
    %mul3A = arith.constant 632 : i32
    %mul3A_6 = arith.muli %arg1, %mul3A : i32
    %add3A = arith.constant 0 : i32
    %add3A_7 = arith.addi %mul3A_6, %add3A : i32
    "tpu.region"() ({
      %run_scoped3A = tpu.sem_alloc : memref<!tpu.dma_semaphore, #tpu.memory_space<semaphore_mem>>
      %dma_start3A = arith.constant 0 : i32
      %dma_start3A_36 = arith.constant 0 : i32
      %dma_start3A_37 = tpu.memref_slice %arg10[%dma_start3A, %dma_start3A_36] : memref<128x128xf32, #tpu.memory_space<vmem>> -> memref<128x128xf32, #tpu.memory_space<vmem>>
      %dma_start3A_38 = arith.constant 0 : i32
      %dma_start3A_39 = tpu.memref_slice %arg12[%add3A_7, %dma_start3A_38] : memref<10112x128xf32, #tpu.memory_space<vmem_shared>> -> memref<128x128xf32, #tpu.memory_space<vmem_shared>>
      %dma_start3A_40 = arith.constant 0 : i32
      %dma_start3A_41 = tpu.memref_slice %arg12[%add3A_7, %dma_start3A_40] : memref<10112x128xf32, #tpu.memory_space<vmem_shared>> -> memref<128x128xf32, #tpu.memory_space<vmem_shared>>
      %dma_start3A_42 = arith.constant 0 : i32
      %dma_start3A_43 = arith.constant 0 : i32
      %dma_start3A_44 = tpu.memref_slice %arg10[%dma_start3A_42, %dma_start3A_43] : memref<128x128xf32, #tpu.memory_space<vmem>> -> memref<128x128xf32, #tpu.memory_space<vmem>>
      tpu.enqueue_dma source(%dma_start3A_44 : memref<128x128xf32, #tpu.memory_space<vmem>>) target(%dma_start3A_41 : memref<128x128xf32, #tpu.memory_space<vmem_shared>>) target_semaphore(%run_scoped3A : memref<!tpu.dma_semaphore, #tpu.memory_space<semaphore_mem>>)
      %dma_wait3A = arith.constant 0 : i32
      %dma_wait3A_45 = arith.constant 0 : i32
      %dma_wait3A_46 = tpu.memref_slice %arg10[%dma_wait3A, %dma_wait3A_45] : memref<128x128xf32, #tpu.memory_space<vmem>> -> memref<128x128xf32, #tpu.memory_space<vmem>>
      %dma_wait3A_47 = arith.constant 0 : i32
      %dma_wait3A_48 = tpu.memref_slice %arg12[%add3A_7, %dma_wait3A_47] : memref<10112x128xf32, #tpu.memory_space<vmem_shared>> -> memref<128x128xf32, #tpu.memory_space<vmem_shared>>
      %dma_wait3A_49 = arith.constant 0 : i32
      %dma_wait3A_50 = tpu.memref_slice %arg12[%add3A_7, %dma_wait3A_49] : memref<10112x128xf32, #tpu.memory_space<vmem_shared>> -> memref<128x128xf32, #tpu.memory_space<vmem_shared>>
      %dma_wait3A_51 = arith.constant 0 : i32
      %dma_wait3A_52 = arith.constant 0 : i32
      %dma_wait3A_53 = tpu.memref_slice %arg10[%dma_wait3A_51, %dma_wait3A_52] : memref<128x128xf32, #tpu.memory_space<vmem>> -> memref<128x128xf32, #tpu.memory_space<vmem>>
      tpu.wait_dma2 semaphore(%run_scoped3A : memref<!tpu.dma_semaphore, #tpu.memory_space<semaphore_mem>>) src(%dma_wait3A_53 : memref<128x128xf32, #tpu.memory_space<vmem>>) dst(%dma_wait3A_50 : memref<128x128xf32, #tpu.memory_space<vmem_shared>>)
      tpu.yield
    }) : () -> ()
    %mul3A_8 = arith.constant 632 : i32
    %mul3A_9 = arith.muli %arg1, %mul3A_8 : i32
    %add3A_10 = arith.constant 128 : i32
    %add3A_11 = arith.addi %mul3A_9, %add3A_10 : i32
    "tpu.region"() ({
      %run_scoped3A = tpu.sem_alloc : memref<!tpu.dma_semaphore, #tpu.memory_space<semaphore_mem>>
      %dma_start3A = arith.constant 0 : i32
      %dma_start3A_36 = arith.constant 0 : i32
      %dma_start3A_37 = tpu.memref_slice %arg10[%dma_start3A, %dma_start3A_36] : memref<128x128xf32, #tpu.memory_space<vmem>> -> memref<128x128xf32, #tpu.memory_space<vmem>>
      %dma_start3A_38 = arith.constant 0 : i32
      %dma_start3A_39 = tpu.memref_slice %arg12[%add3A_11, %dma_start3A_38] : memref<10112x128xf32, #tpu.memory_space<vmem_shared>> -> memref<128x128xf32, #tpu.memory_space<vmem_shared>>
      %dma_start3A_40 = arith.constant 0 : i32
      %dma_start3A_41 = tpu.memref_slice %arg12[%add3A_11, %dma_start3A_40] : memref<10112x128xf32, #tpu.memory_space<vmem_shared>> -> memref<128x128xf32, #tpu.memory_space<vmem_shared>>
      %dma_start3A_42 = arith.constant 0 : i32
      %dma_start3A_43 = arith.constant 0 : i32
      %dma_start3A_44 = tpu.memref_slice %arg10[%dma_start3A_42, %dma_start3A_43] : memref<128x128xf32, #tpu.memory_space<vmem>> -> memref<128x128xf32, #tpu.memory_space<vmem>>
      tpu.enqueue_dma source(%dma_start3A_44 : memref<128x128xf32, #tpu.memory_space<vmem>>) target(%dma_start3A_41 : memref<128x128xf32, #tpu.memory_space<vmem_shared>>) target_semaphore(%run_scoped3A : memref<!tpu.dma_semaphore, #tpu.memory_space<semaphore_mem>>)
      %dma_wait3A = arith.constant 0 : i32
      %dma_wait3A_45 = arith.constant 0 : i32
      %dma_wait3A_46 = tpu.memref_slice %arg10[%dma_wait3A, %dma_wait3A_45] : memref<128x128xf32, #tpu.memory_space<vmem>> -> memref<128x128xf32, #tpu.memory_space<vmem>>
      %dma_wait3A_47 = arith.constant 0 : i32
      %dma_wait3A_48 = tpu.memref_slice %arg12[%add3A_11, %dma_wait3A_47] : memref<10112x128xf32, #tpu.memory_space<vmem_shared>> -> memref<128x128xf32, #tpu.memory_space<vmem_shared>>
      %dma_wait3A_49 = arith.constant 0 : i32
      %dma_wait3A_50 = tpu.memref_slice %arg12[%add3A_11, %dma_wait3A_49] : memref<10112x128xf32, #tpu.memory_space<vmem_shared>> -> memref<128x128xf32, #tpu.memory_space<vmem_shared>>
      %dma_wait3A_51 = arith.constant 0 : i32
      %dma_wait3A_52 = arith.constant 0 : i32
      %dma_wait3A_53 = tpu.memref_slice %arg10[%dma_wait3A_51, %dma_wait3A_52] : memref<128x128xf32, #tpu.memory_space<vmem>> -> memref<128x128xf32, #tpu.memory_space<vmem>>
      tpu.wait_dma2 semaphore(%run_scoped3A : memref<!tpu.dma_semaphore, #tpu.memory_space<semaphore_mem>>) src(%dma_wait3A_53 : memref<128x128xf32, #tpu.memory_space<vmem>>) dst(%dma_wait3A_50 : memref<128x128xf32, #tpu.memory_space<vmem_shared>>)
      tpu.yield
    }) : () -> ()
    %mul3A_12 = arith.constant 632 : i32
    %mul3A_13 = arith.muli %arg1, %mul3A_12 : i32
    %add3A_14 = arith.constant 256 : i32
    %add3A_15 = arith.addi %mul3A_13, %add3A_14 : i32
    "tpu.region"() ({
      %run_scoped3A = tpu.sem_alloc : memref<!tpu.dma_semaphore, #tpu.memory_space<semaphore_mem>>
      %dma_start3A = arith.constant 0 : i32
      %dma_start3A_36 = arith.constant 0 : i32
      %dma_start3A_37 = tpu.memref_slice %arg10[%dma_start3A, %dma_start3A_36] : memref<128x128xf32, #tpu.memory_space<vmem>> -> memref<128x128xf32, #tpu.memory_space<vmem>>
      %dma_start3A_38 = arith.constant 0 : i32
      %dma_start3A_39 = tpu.memref_slice %arg12[%add3A_15, %dma_start3A_38] : memref<10112x128xf32, #tpu.memory_space<vmem_shared>> -> memref<128x128xf32, #tpu.memory_space<vmem_shared>>
      %dma_start3A_40 = arith.constant 0 : i32
      %dma_start3A_41 = tpu.memref_slice %arg12[%add3A_15, %dma_start3A_40] : memref<10112x128xf32, #tpu.memory_space<vmem_shared>> -> memref<128x128xf32, #tpu.memory_space<vmem_shared>>
      %dma_start3A_42 = arith.constant 0 : i32
      %dma_start3A_43 = arith.constant 0 : i32
      %dma_start3A_44 = tpu.memref_slice %arg10[%dma_start3A_42, %dma_start3A_43] : memref<128x128xf32, #tpu.memory_space<vmem>> -> memref<128x128xf32, #tpu.memory_space<vmem>>
      tpu.enqueue_dma source(%dma_start3A_44 : memref<128x128xf32, #tpu.memory_space<vmem>>) target(%dma_start3A_41 : memref<128x128xf32, #tpu.memory_space<vmem_shared>>) target_semaphore(%run_scoped3A : memref<!tpu.dma_semaphore, #tpu.memory_space<semaphore_mem>>)
      %dma_wait3A = arith.constant 0 : i32
      %dma_wait3A_45 = arith.constant 0 : i32
      %dma_wait3A_46 = tpu.memref_slice %arg10[%dma_wait3A, %dma_wait3A_45] : memref<128x128xf32, #tpu.memory_space<vmem>> -> memref<128x128xf32, #tpu.memory_space<vmem>>
      %dma_wait3A_47 = arith.constant 0 : i32
      %dma_wait3A_48 = tpu.memref_slice %arg12[%add3A_15, %dma_wait3A_47] : memref<10112x128xf32, #tpu.memory_space<vmem_shared>> -> memref<128x128xf32, #tpu.memory_space<vmem_shared>>
      %dma_wait3A_49 = arith.constant 0 : i32
      %dma_wait3A_50 = tpu.memref_slice %arg12[%add3A_15, %dma_wait3A_49] : memref<10112x128xf32, #tpu.memory_space<vmem_shared>> -> memref<128x128xf32, #tpu.memory_space<vmem_shared>>
      %dma_wait3A_51 = arith.constant 0 : i32
      %dma_wait3A_52 = arith.constant 0 : i32
      %dma_wait3A_53 = tpu.memref_slice %arg10[%dma_wait3A_51, %dma_wait3A_52] : memref<128x128xf32, #tpu.memory_space<vmem>> -> memref<128x128xf32, #tpu.memory_space<vmem>>
      tpu.wait_dma2 semaphore(%run_scoped3A : memref<!tpu.dma_semaphore, #tpu.memory_space<semaphore_mem>>) src(%dma_wait3A_53 : memref<128x128xf32, #tpu.memory_space<vmem>>) dst(%dma_wait3A_50 : memref<128x128xf32, #tpu.memory_space<vmem_shared>>)
      tpu.yield
    }) : () -> ()
    %mul3A_16 = arith.constant 632 : i32
    %mul3A_17 = arith.muli %arg1, %mul3A_16 : i32
    %add3A_18 = arith.constant 384 : i32
    %add3A_19 = arith.addi %mul3A_17, %add3A_18 : i32
    "tpu.region"() ({
      %run_scoped3A = tpu.sem_alloc : memref<!tpu.dma_semaphore, #tpu.memory_space<semaphore_mem>>
      %dma_start3A = arith.constant 0 : i32
      %dma_start3A_36 = arith.constant 0 : i32
      %dma_start3A_37 = tpu.memref_slice %arg10[%dma_start3A, %dma_start3A_36] : memref<128x128xf32, #tpu.memory_space<vmem>> -> memref<128x128xf32, #tpu.memory_space<vmem>>
      %dma_start3A_38 = arith.constant 0 : i32
      %dma_start3A_39 = tpu.memref_slice %arg12[%add3A_19, %dma_start3A_38] : memref<10112x128xf32, #tpu.memory_space<vmem_shared>> -> memref<128x128xf32, #tpu.memory_space<vmem_shared>>
      %dma_start3A_40 = arith.constant 0 : i32
      %dma_start3A_41 = tpu.memref_slice %arg12[%add3A_19, %dma_start3A_40] : memref<10112x128xf32, #tpu.memory_space<vmem_shared>> -> memref<128x128xf32, #tpu.memory_space<vmem_shared>>
      %dma_start3A_42 = arith.constant 0 : i32
      %dma_start3A_43 = arith.constant 0 : i32
      %dma_start3A_44 = tpu.memref_slice %arg10[%dma_start3A_42, %dma_start3A_43] : memref<128x128xf32, #tpu.memory_space<vmem>> -> memref<128x128xf32, #tpu.memory_space<vmem>>
      tpu.enqueue_dma source(%dma_start3A_44 : memref<128x128xf32, #tpu.memory_space<vmem>>) target(%dma_start3A_41 : memref<128x128xf32, #tpu.memory_space<vmem_shared>>) target_semaphore(%run_scoped3A : memref<!tpu.dma_semaphore, #tpu.memory_space<semaphore_mem>>)
      %dma_wait3A = arith.constant 0 : i32
      %dma_wait3A_45 = arith.constant 0 : i32
      %dma_wait3A_46 = tpu.memref_slice %arg10[%dma_wait3A, %dma_wait3A_45] : memref<128x128xf32, #tpu.memory_space<vmem>> -> memref<128x128xf32, #tpu.memory_space<vmem>>
      %dma_wait3A_47 = arith.constant 0 : i32
      %dma_wait3A_48 = tpu.memref_slice %arg12[%add3A_19, %dma_wait3A_47] : memref<10112x128xf32, #tpu.memory_space<vmem_shared>> -> memref<128x128xf32, #tpu.memory_space<vmem_shared>>
      %dma_wait3A_49 = arith.constant 0 : i32
      %dma_wait3A_50 = tpu.memref_slice %arg12[%add3A_19, %dma_wait3A_49] : memref<10112x128xf32, #tpu.memory_space<vmem_shared>> -> memref<128x128xf32, #tpu.memory_space<vmem_shared>>
      %dma_wait3A_51 = arith.constant 0 : i32
      %dma_wait3A_52 = arith.constant 0 : i32
      %dma_wait3A_53 = tpu.memref_slice %arg10[%dma_wait3A_51, %dma_wait3A_52] : memref<128x128xf32, #tpu.memory_space<vmem>> -> memref<128x128xf32, #tpu.memory_space<vmem>>
      tpu.wait_dma2 semaphore(%run_scoped3A : memref<!tpu.dma_semaphore, #tpu.memory_space<semaphore_mem>>) src(%dma_wait3A_53 : memref<128x128xf32, #tpu.memory_space<vmem>>) dst(%dma_wait3A_50 : memref<128x128xf32, #tpu.memory_space<vmem_shared>>)
      tpu.yield
    }) : () -> ()
    %mul3A_20 = arith.constant 632 : i32
    %mul3A_21 = arith.muli %arg1, %mul3A_20 : i32
    %add3A_22 = arith.constant 512 : i32
    %add3A_23 = arith.addi %mul3A_21, %add3A_22 : i32
    "tpu.region"() ({
      %run_scoped3A = tpu.sem_alloc : memref<!tpu.dma_semaphore, #tpu.memory_space<semaphore_mem>>
      %dma_start3A = arith.constant 0 : i32
      %dma_start3A_36 = arith.constant 0 : i32
      %dma_start3A_37 = tpu.memref_slice %arg10[%dma_start3A, %dma_start3A_36] : memref<128x128xf32, #tpu.memory_space<vmem>> -> memref<120x128xf32, #tpu.memory_space<vmem>>
      %dma_start3A_38 = arith.constant 0 : i32
      %dma_start3A_39 = tpu.memref_slice %arg12[%add3A_23, %dma_start3A_38] : memref<10112x128xf32, #tpu.memory_space<vmem_shared>> -> memref<120x128xf32, #tpu.memory_space<vmem_shared>>
      %dma_start3A_40 = arith.constant 0 : i32
      %dma_start3A_41 = tpu.memref_slice %arg12[%add3A_23, %dma_start3A_40] : memref<10112x128xf32, #tpu.memory_space<vmem_shared>> -> memref<120x128xf32, #tpu.memory_space<vmem_shared>>
      %dma_start3A_42 = arith.constant 0 : i32
      %dma_start3A_43 = arith.constant 0 : i32
      %dma_start3A_44 = tpu.memref_slice %arg10[%dma_start3A_42, %dma_start3A_43] : memref<128x128xf32, #tpu.memory_space<vmem>> -> memref<120x128xf32, #tpu.memory_space<vmem>>
      tpu.enqueue_dma source(%dma_start3A_44 : memref<120x128xf32, #tpu.memory_space<vmem>>) target(%dma_start3A_41 : memref<120x128xf32, #tpu.memory_space<vmem_shared>>) target_semaphore(%run_scoped3A : memref<!tpu.dma_semaphore, #tpu.memory_space<semaphore_mem>>)
      %dma_wait3A = arith.constant 0 : i32
      %dma_wait3A_45 = arith.constant 0 : i32
      %dma_wait3A_46 = tpu.memref_slice %arg10[%dma_wait3A, %dma_wait3A_45] : memref<128x128xf32, #tpu.memory_space<vmem>> -> memref<120x128xf32, #tpu.memory_space<vmem>>
      %dma_wait3A_47 = arith.constant 0 : i32
      %dma_wait3A_48 = tpu.memref_slice %arg12[%add3A_23, %dma_wait3A_47] : memref<10112x128xf32, #tpu.memory_space<vmem_shared>> -> memref<120x128xf32, #tpu.memory_space<vmem_shared>>
      %dma_wait3A_49 = arith.constant 0 : i32
      %dma_wait3A_50 = tpu.memref_slice %arg12[%add3A_23, %dma_wait3A_49] : memref<10112x128xf32, #tpu.memory_space<vmem_shared>> -> memref<120x128xf32, #tpu.memory_space<vmem_shared>>
      %dma_wait3A_51 = arith.constant 0 : i32
      %dma_wait3A_52 = arith.constant 0 : i32
      %dma_wait3A_53 = tpu.memref_slice %arg10[%dma_wait3A_51, %dma_wait3A_52] : memref<128x128xf32, #tpu.memory_space<vmem>> -> memref<120x128xf32, #tpu.memory_space<vmem>>
      tpu.wait_dma2 semaphore(%run_scoped3A : memref<!tpu.dma_semaphore, #tpu.memory_space<semaphore_mem>>) src(%dma_wait3A_53 : memref<120x128xf32, #tpu.memory_space<vmem>>) dst(%dma_wait3A_50 : memref<120x128xf32, #tpu.memory_space<vmem_shared>>)
      tpu.yield
    }) : () -> ()
    %barrier3A = arith.constant 0 : index
    tpu.barrier barrier_id(%barrier3A)
    %eq3A = arith.constant 0 : i32
    %eq3A_24 = arith.cmpi eq, %arg0, %eq3A : i32
    %convert_element_type3A = arith.extui %eq3A_24 : i1 to i32
    %cond3A = arith.constant 0 : i32
    %cond3A_25 = arith.cmpi ne, %convert_element_type3A, %cond3A : i32
    scf.if %cond3A_25 {
      "tpu.region"() ({
        %run_scoped3A_181 = tpu.sem_alloc : memref<!tpu.dma_semaphore, #tpu.memory_space<semaphore_mem>>
        %dma_start3A_182 = arith.constant 0 : i32
        %dma_start3A_183 = arith.constant 0 : i32
        %dma_start3A_184 = tpu.memref_slice %arg8[%dma_start3A_182, %dma_start3A_183] : memref<40x128xi32, #tpu.memory_space<vmem>> -> memref<40x128xi32, #tpu.memory_space<vmem>>
        %dma_start3A_185 = arith.constant 0 : i32
        %dma_start3A_186 = arith.constant 0 : i32
        %dma_start3A_187 = tpu.memref_slice %arg3[%arg1, %dma_start3A_185, %dma_start3A_186] : memref<16x146x128xi32, #tpu.memory_space<hbm>> -> memref<1x40x128xi32, #tpu.memory_space<hbm>>
        %dma_start3A_188 = tpu.memref_squeeze %dma_start3A_187 : memref<1x40x128xi32, #tpu.memory_space<hbm>> -> memref<40x128xi32, #tpu.memory_space<hbm>>
        %dma_start3A_189 = arith.constant 0 : i32
        %dma_start3A_190 = arith.constant 0 : i32
        %dma_start3A_191 = tpu.memref_slice %arg8[%dma_start3A_189, %dma_start3A_190] : memref<40x128xi32, #tpu.memory_space<vmem>> -> memref<40x128xi32, #tpu.memory_space<vmem>>
        %dma_start3A_192 = arith.constant 0 : i32
        %dma_start3A_193 = arith.constant 0 : i32
        %dma_start3A_194 = tpu.memref_slice %arg3[%arg1, %dma_start3A_192, %dma_start3A_193] : memref<16x146x128xi32, #tpu.memory_space<hbm>> -> memref<1x40x128xi32, #tpu.memory_space<hbm>>
        %dma_start3A_195 = tpu.memref_squeeze %dma_start3A_194 : memref<1x40x128xi32, #tpu.memory_space<hbm>> -> memref<40x128xi32, #tpu.memory_space<hbm>>
        tpu.enqueue_dma source(%dma_start3A_195 : memref<40x128xi32, #tpu.memory_space<hbm>>) target(%dma_start3A_191 : memref<40x128xi32, #tpu.memory_space<vmem>>) target_semaphore(%run_scoped3A_181 : memref<!tpu.dma_semaphore, #tpu.memory_space<semaphore_mem>>)
        %dma_wait3A_196 = arith.constant 0 : i32
        %dma_wait3A_197 = arith.constant 0 : i32
        %dma_wait3A_198 = tpu.memref_slice %arg8[%dma_wait3A_196, %dma_wait3A_197] : memref<40x128xi32, #tpu.memory_space<vmem>> -> memref<40x128xi32, #tpu.memory_space<vmem>>
        %dma_wait3A_199 = arith.constant 0 : i32
        %dma_wait3A_200 = arith.constant 0 : i32
        %dma_wait3A_201 = tpu.memref_slice %arg3[%arg1, %dma_wait3A_199, %dma_wait3A_200] : memref<16x146x128xi32, #tpu.memory_space<hbm>> -> memref<1x40x128xi32, #tpu.memory_space<hbm>>
        %dma_wait3A_202 = tpu.memref_squeeze %dma_wait3A_201 : memref<1x40x128xi32, #tpu.memory_space<hbm>> -> memref<40x128xi32, #tpu.memory_space<hbm>>
        %dma_wait3A_203 = arith.constant 0 : i32
        %dma_wait3A_204 = arith.constant 0 : i32
        %dma_wait3A_205 = tpu.memref_slice %arg8[%dma_wait3A_203, %dma_wait3A_204] : memref<40x128xi32, #tpu.memory_space<vmem>> -> memref<40x128xi32, #tpu.memory_space<vmem>>
        %dma_wait3A_206 = arith.constant 0 : i32
        %dma_wait3A_207 = arith.constant 0 : i32
        %dma_wait3A_208 = tpu.memref_slice %arg3[%arg1, %dma_wait3A_206, %dma_wait3A_207] : memref<16x146x128xi32, #tpu.memory_space<hbm>> -> memref<1x40x128xi32, #tpu.memory_space<hbm>>
        %dma_wait3A_209 = tpu.memref_squeeze %dma_wait3A_208 : memref<1x40x128xi32, #tpu.memory_space<hbm>> -> memref<40x128xi32, #tpu.memory_space<hbm>>
        tpu.wait_dma2 semaphore(%run_scoped3A_181 : memref<!tpu.dma_semaphore, #tpu.memory_space<semaphore_mem>>) src(%dma_wait3A_209 : memref<40x128xi32, #tpu.memory_space<hbm>>) dst(%dma_wait3A_205 : memref<40x128xi32, #tpu.memory_space<vmem>>)
        tpu.yield
      }) : () -> ()
      "tpu.region"() ({
        %run_scoped3A_181 = tpu.sem_alloc : memref<!tpu.dma_semaphore, #tpu.memory_space<semaphore_mem>>
        %dma_start3A_182 = arith.constant 0 : i32
        %dma_start3A_183 = arith.constant 0 : i32
        %dma_start3A_184 = tpu.memref_slice %arg9[%dma_start3A_182, %dma_start3A_183] : memref<40x128xi32, #tpu.memory_space<vmem>> -> memref<40x128xi32, #tpu.memory_space<vmem>>
        %dma_start3A_185 = arith.constant 0 : i32
        %dma_start3A_186 = arith.constant 0 : i32
        %dma_start3A_187 = tpu.memref_slice %arg4[%arg1, %dma_start3A_185, %dma_start3A_186] : memref<16x146x128xi32, #tpu.memory_space<hbm>> -> memref<1x40x128xi32, #tpu.memory_space<hbm>>
        %dma_start3A_188 = tpu.memref_squeeze %dma_start3A_187 : memref<1x40x128xi32, #tpu.memory_space<hbm>> -> memref<40x128xi32, #tpu.memory_space<hbm>>
        %dma_start3A_189 = arith.constant 0 : i32
        %dma_start3A_190 = arith.constant 0 : i32
        %dma_start3A_191 = tpu.memref_slice %arg9[%dma_start3A_189, %dma_start3A_190] : memref<40x128xi32, #tpu.memory_space<vmem>> -> memref<40x128xi32, #tpu.memory_space<vmem>>
        %dma_start3A_192 = arith.constant 0 : i32
        %dma_start3A_193 = arith.constant 0 : i32
        %dma_start3A_194 = tpu.memref_slice %arg4[%arg1, %dma_start3A_192, %dma_start3A_193] : memref<16x146x128xi32, #tpu.memory_space<hbm>> -> memref<1x40x128xi32, #tpu.memory_space<hbm>>
        %dma_start3A_195 = tpu.memref_squeeze %dma_start3A_194 : memref<1x40x128xi32, #tpu.memory_space<hbm>> -> memref<40x128xi32, #tpu.memory_space<hbm>>
        tpu.enqueue_dma source(%dma_start3A_195 : memref<40x128xi32, #tpu.memory_space<hbm>>) target(%dma_start3A_191 : memref<40x128xi32, #tpu.memory_space<vmem>>) target_semaphore(%run_scoped3A_181 : memref<!tpu.dma_semaphore, #tpu.memory_space<semaphore_mem>>)
        %dma_wait3A_196 = arith.constant 0 : i32
        %dma_wait3A_197 = arith.constant 0 : i32
        %dma_wait3A_198 = tpu.memref_slice %arg9[%dma_wait3A_196, %dma_wait3A_197] : memref<40x128xi32, #tpu.memory_space<vmem>> -> memref<40x128xi32, #tpu.memory_space<vmem>>
        %dma_wait3A_199 = arith.constant 0 : i32
        %dma_wait3A_200 = arith.constant 0 : i32
        %dma_wait3A_201 = tpu.memref_slice %arg4[%arg1, %dma_wait3A_199, %dma_wait3A_200] : memref<16x146x128xi32, #tpu.memory_space<hbm>> -> memref<1x40x128xi32, #tpu.memory_space<hbm>>
        %dma_wait3A_202 = tpu.memref_squeeze %dma_wait3A_201 : memref<1x40x128xi32, #tpu.memory_space<hbm>> -> memref<40x128xi32, #tpu.memory_space<hbm>>
        %dma_wait3A_203 = arith.constant 0 : i32
        %dma_wait3A_204 = arith.constant 0 : i32
        %dma_wait3A_205 = tpu.memref_slice %arg9[%dma_wait3A_203, %dma_wait3A_204] : memref<40x128xi32, #tpu.memory_space<vmem>> -> memref<40x128xi32, #tpu.memory_space<vmem>>
        %dma_wait3A_206 = arith.constant 0 : i32
        %dma_wait3A_207 = arith.constant 0 : i32
        %dma_wait3A_208 = tpu.memref_slice %arg4[%arg1, %dma_wait3A_206, %dma_wait3A_207] : memref<16x146x128xi32, #tpu.memory_space<hbm>> -> memref<1x40x128xi32, #tpu.memory_space<hbm>>
        %dma_wait3A_209 = tpu.memref_squeeze %dma_wait3A_208 : memref<1x40x128xi32, #tpu.memory_space<hbm>> -> memref<40x128xi32, #tpu.memory_space<hbm>>
        tpu.wait_dma2 semaphore(%run_scoped3A_181 : memref<!tpu.dma_semaphore, #tpu.memory_space<semaphore_mem>>) src(%dma_wait3A_209 : memref<40x128xi32, #tpu.memory_space<hbm>>) dst(%dma_wait3A_205 : memref<40x128xi32, #tpu.memory_space<vmem>>)
        tpu.yield
      }) : () -> ()
      %dma_start3A = arith.constant 0 : i32
      %dma_start3A_36 = arith.constant 0 : i32
      %dma_start3A_37 = tpu.memref_slice %arg8[%dma_start3A, %dma_start3A_36] : memref<40x128xi32, #tpu.memory_space<vmem>> -> memref<1x128xi32, #tpu.memory_space<vmem>>
      %dma_start3A_38 = tpu.memref_squeeze %dma_start3A_37 : memref<1x128xi32, #tpu.memory_space<vmem>> -> memref<128xi32, #tpu.memory_space<vmem>>
      %dma_start3A_39 = arith.constant 0 : i32
      %dma_start3A_40 = arith.constant 0 : i32
      %dma_start3A_41 = tpu.memref_slice %arg2[%dma_start3A_39, %dma_start3A_40] : memref<10000x128xf32, #tpu.memory_space<hbm>> -> memref<10000x128xf32, #tpu.memory_space<hbm>>
      tpu.enqueue_indirect_dma source(%dma_start3A_41 : memref<10000x128xf32, #tpu.memory_space<hbm>>) target(%arg10 : memref<128x128xf32, #tpu.memory_space<vmem>>) offsets(%dma_start3A_38 : memref<128xi32, #tpu.memory_space<vmem>>) semaphore(%arg13 : memref<!tpu.dma_semaphore, #tpu.memory_space<semaphore_mem>>)
      %dma_start3A_42 = arith.constant 1 : i32
      %dma_start3A_43 = arith.constant 0 : i32
      %dma_start3A_44 = tpu.memref_slice %arg8[%dma_start3A_42, %dma_start3A_43] : memref<40x128xi32, #tpu.memory_space<vmem>> -> memref<1x128xi32, #tpu.memory_space<vmem>>
      %dma_start3A_45 = tpu.memref_squeeze %dma_start3A_44 : memref<1x128xi32, #tpu.memory_space<vmem>> -> memref<128xi32, #tpu.memory_space<vmem>>
      %dma_start3A_46 = arith.constant 0 : i32
      %dma_start3A_47 = arith.constant 0 : i32
      %dma_start3A_48 = tpu.memref_slice %arg2[%dma_start3A_46, %dma_start3A_47] : memref<10000x128xf32, #tpu.memory_space<hbm>> -> memref<10000x128xf32, #tpu.memory_space<hbm>>
      tpu.enqueue_indirect_dma source(%dma_start3A_48 : memref<10000x128xf32, #tpu.memory_space<hbm>>) target(%arg11 : memref<128x128xf32, #tpu.memory_space<vmem>>) offsets(%dma_start3A_45 : memref<128xi32, #tpu.memory_space<vmem>>) semaphore(%arg14 : memref<!tpu.dma_semaphore, #tpu.memory_space<semaphore_mem>>)
      %scan3A_49 = arith.constant 0 : i32
      %scan3A_50 = arith.constant 0 : i32
      %scan3A_51 = arith.constant 19 : i32
      %scan3A_52 = arith.addi %scan3A_50, %scan3A_51 : i32
      %scan3A_53 = arith.constant 1 : i32
      %scan3A_54 = scf.for %scan3A_181 = %scan3A_50 to %scan3A_52 step %scan3A_53 iter_args(%scan3A_182 = %scan3A_49) -> (i32)  : i32 {
        %mul3A_183 = arith.constant 2 : i32
        %mul3A_184 = arith.muli %mul3A_183, %scan3A_181 : i32
        %add3A_185 = arith.constant 1 : i32
        %add3A_186 = arith.addi %mul3A_184, %add3A_185 : i32
        %dma_wait3A_187 = arith.constant 0 : i32
        %dma_wait3A_188 = tpu.memref_slice %arg8[%mul3A_184, %dma_wait3A_187] : memref<40x128xi32, #tpu.memory_space<vmem>> -> memref<1x128xi32, #tpu.memory_space<vmem>>
        %dma_wait3A_189 = tpu.memref_squeeze %dma_wait3A_188 : memref<1x128xi32, #tpu.memory_space<vmem>> -> memref<128xi32, #tpu.memory_space<vmem>>
        %dma_wait3A_190 = arith.constant 0 : i32
        %dma_wait3A_191 = arith.constant 0 : i32
        %dma_wait3A_192 = tpu.memref_slice %arg2[%dma_wait3A_190, %dma_wait3A_191] : memref<10000x128xf32, #tpu.memory_space<hbm>> -> memref<10000x128xf32, #tpu.memory_space<hbm>>
        tpu.wait_indirect_dma semaphore(%arg13 : memref<!tpu.dma_semaphore, #tpu.memory_space<semaphore_mem>>) src(%dma_wait3A_192 : memref<10000x128xf32, #tpu.memory_space<hbm>>) dst(%arg10 : memref<128x128xf32, #tpu.memory_space<vmem>>)
        "tpu.region"() ({
          %run_scoped3A_216 = tpu.sem_alloc : memref<!tpu.dma_semaphore, #tpu.memory_space<semaphore_mem>>
          %dma_start3A_217 = arith.constant 0 : i32
          %dma_start3A_218 = tpu.memref_slice %arg9[%mul3A_184, %dma_start3A_217] : memref<40x128xi32, #tpu.memory_space<vmem>> -> memref<1x128xi32, #tpu.memory_space<vmem>>
          %dma_start3A_219 = tpu.memref_squeeze %dma_start3A_218 : memref<1x128xi32, #tpu.memory_space<vmem>> -> memref<128xi32, #tpu.memory_space<vmem>>
          %dma_start3A_220 = arith.constant 0 : i32
          %dma_start3A_221 = arith.constant 0 : i32
          %dma_start3A_222 = tpu.memref_slice %arg12[%dma_start3A_220, %dma_start3A_221] : memref<10112x128xf32, #tpu.memory_space<vmem_shared>> -> memref<10112x128xf32, #tpu.memory_space<vmem_shared>>
          tpu.enqueue_indirect_dma source(%arg10 : memref<128x128xf32, #tpu.memory_space<vmem>>) target(%dma_start3A_222 : memref<10112x128xf32, #tpu.memory_space<vmem_shared>>) offsets(%dma_start3A_219 : memref<128xi32, #tpu.memory_space<vmem>>) semaphore(%run_scoped3A_216 : memref<!tpu.dma_semaphore, #tpu.memory_space<semaphore_mem>>) {add = true}
          %dma_wait3A_223 = arith.constant 0 : i32
          %dma_wait3A_224 = tpu.memref_slice %arg9[%mul3A_184, %dma_wait3A_223] : memref<40x128xi32, #tpu.memory_space<vmem>> -> memref<1x128xi32, #tpu.memory_space<vmem>>
          %dma_wait3A_225 = tpu.memref_squeeze %dma_wait3A_224 : memref<1x128xi32, #tpu.memory_space<vmem>> -> memref<128xi32, #tpu.memory_space<vmem>>
          %dma_wait3A_226 = arith.constant 0 : i32
          %dma_wait3A_227 = arith.constant 0 : i32
          %dma_wait3A_228 = tpu.memref_slice %arg12[%dma_wait3A_226, %dma_wait3A_227] : memref<10112x128xf32, #tpu.memory_space<vmem_shared>> -> memref<10112x128xf32, #tpu.memory_space<vmem_shared>>
          tpu.wait_indirect_dma semaphore(%run_scoped3A_216 : memref<!tpu.dma_semaphore, #tpu.memory_space<semaphore_mem>>) src(%arg10 : memref<128x128xf32, #tpu.memory_space<vmem>>) dst(%dma_wait3A_228 : memref<10112x128xf32, #tpu.memory_space<vmem_shared>>)
          tpu.yield
        }) : () -> ()
        %add3A_193 = arith.constant 2 : i32
        %add3A_194 = arith.addi %mul3A_184, %add3A_193 : i32
        %dma_start3A_195 = arith.constant 0 : i32
        %dma_start3A_196 = tpu.memref_slice %arg8[%add3A_194, %dma_start3A_195] : memref<40x128xi32, #tpu.memory_space<vmem>> -> memref<1x128xi32, #tpu.memory_space<vmem>>
        %dma_start3A_197 = tpu.memref_squeeze %dma_start3A_196 : memref<1x128xi32, #tpu.memory_space<vmem>> -> memref<128xi32, #tpu.memory_space<vmem>>
        %dma_start3A_198 = arith.constant 0 : i32
        %dma_start3A_199 = arith.constant 0 : i32
        %dma_start3A_200 = tpu.memref_slice %arg2[%dma_start3A_198, %dma_start3A_199] : memref<10000x128xf32, #tpu.memory_space<hbm>> -> memref<10000x128xf32, #tpu.memory_space<hbm>>
        tpu.enqueue_indirect_dma source(%dma_start3A_200 : memref<10000x128xf32, #tpu.memory_space<hbm>>) target(%arg10 : memref<128x128xf32, #tpu.memory_space<vmem>>) offsets(%dma_start3A_197 : memref<128xi32, #tpu.memory_space<vmem>>) semaphore(%arg13 : memref<!tpu.dma_semaphore, #tpu.memory_space<semaphore_mem>>)
        %dma_wait3A_201 = arith.constant 0 : i32
        %dma_wait3A_202 = tpu.memref_slice %arg8[%add3A_186, %dma_wait3A_201] : memref<40x128xi32, #tpu.memory_space<vmem>> -> memref<1x128xi32, #tpu.memory_space<vmem>>
        %dma_wait3A_203 = tpu.memref_squeeze %dma_wait3A_202 : memref<1x128xi32, #tpu.memory_space<vmem>> -> memref<128xi32, #tpu.memory_space<vmem>>
        %dma_wait3A_204 = arith.constant 0 : i32
        %dma_wait3A_205 = arith.constant 0 : i32
        %dma_wait3A_206 = tpu.memref_slice %arg2[%dma_wait3A_204, %dma_wait3A_205] : memref<10000x128xf32, #tpu.memory_space<hbm>> -> memref<10000x128xf32, #tpu.memory_space<hbm>>
        tpu.wait_indirect_dma semaphore(%arg14 : memref<!tpu.dma_semaphore, #tpu.memory_space<semaphore_mem>>) src(%dma_wait3A_206 : memref<10000x128xf32, #tpu.memory_space<hbm>>) dst(%arg11 : memref<128x128xf32, #tpu.memory_space<vmem>>)
        "tpu.region"() ({
          %run_scoped3A_216 = tpu.sem_alloc : memref<!tpu.dma_semaphore, #tpu.memory_space<semaphore_mem>>
          %dma_start3A_217 = arith.constant 0 : i32
          %dma_start3A_218 = tpu.memref_slice %arg9[%add3A_186, %dma_start3A_217] : memref<40x128xi32, #tpu.memory_space<vmem>> -> memref<1x128xi32, #tpu.memory_space<vmem>>
          %dma_start3A_219 = tpu.memref_squeeze %dma_start3A_218 : memref<1x128xi32, #tpu.memory_space<vmem>> -> memref<128xi32, #tpu.memory_space<vmem>>
          %dma_start3A_220 = arith.constant 0 : i32
          %dma_start3A_221 = arith.constant 0 : i32
          %dma_start3A_222 = tpu.memref_slice %arg12[%dma_start3A_220, %dma_start3A_221] : memref<10112x128xf32, #tpu.memory_space<vmem_shared>> -> memref<10112x128xf32, #tpu.memory_space<vmem_shared>>
          tpu.enqueue_indirect_dma source(%arg11 : memref<128x128xf32, #tpu.memory_space<vmem>>) target(%dma_start3A_222 : memref<10112x128xf32, #tpu.memory_space<vmem_shared>>) offsets(%dma_start3A_219 : memref<128xi32, #tpu.memory_space<vmem>>) semaphore(%run_scoped3A_216 : memref<!tpu.dma_semaphore, #tpu.memory_space<semaphore_mem>>) {add = true}
          %dma_wait3A_223 = arith.constant 0 : i32
          %dma_wait3A_224 = tpu.memref_slice %arg9[%add3A_186, %dma_wait3A_223] : memref<40x128xi32, #tpu.memory_space<vmem>> -> memref<1x128xi32, #tpu.memory_space<vmem>>
          %dma_wait3A_225 = tpu.memref_squeeze %dma_wait3A_224 : memref<1x128xi32, #tpu.memory_space<vmem>> -> memref<128xi32, #tpu.memory_space<vmem>>
          %dma_wait3A_226 = arith.constant 0 : i32
          %dma_wait3A_227 = arith.constant 0 : i32
          %dma_wait3A_228 = tpu.memref_slice %arg12[%dma_wait3A_226, %dma_wait3A_227] : memref<10112x128xf32, #tpu.memory_space<vmem_shared>> -> memref<10112x128xf32, #tpu.memory_space<vmem_shared>>
          tpu.wait_indirect_dma semaphore(%run_scoped3A_216 : memref<!tpu.dma_semaphore, #tpu.memory_space<semaphore_mem>>) src(%arg11 : memref<128x128xf32, #tpu.memory_space<vmem>>) dst(%dma_wait3A_228 : memref<10112x128xf32, #tpu.memory_space<vmem_shared>>)
          tpu.yield
        }) : () -> ()
        %add3A_207 = arith.constant 2 : i32
        %add3A_208 = arith.addi %add3A_186, %add3A_207 : i32
        %dma_start3A_209 = arith.constant 0 : i32
        %dma_start3A_210 = tpu.memref_slice %arg8[%add3A_208, %dma_start3A_209] : memref<40x128xi32, #tpu.memory_space<vmem>> -> memref<1x128xi32, #tpu.memory_space<vmem>>
        %dma_start3A_211 = tpu.memref_squeeze %dma_start3A_210 : memref<1x128xi32, #tpu.memory_space<vmem>> -> memref<128xi32, #tpu.memory_space<vmem>>
        %dma_start3A_212 = arith.constant 0 : i32
        %dma_start3A_213 = arith.constant 0 : i32
        %dma_start3A_214 = tpu.memref_slice %arg2[%dma_start3A_212, %dma_start3A_213] : memref<10000x128xf32, #tpu.memory_space<hbm>> -> memref<10000x128xf32, #tpu.memory_space<hbm>>
        tpu.enqueue_indirect_dma source(%dma_start3A_214 : memref<10000x128xf32, #tpu.memory_space<hbm>>) target(%arg11 : memref<128x128xf32, #tpu.memory_space<vmem>>) offsets(%dma_start3A_211 : memref<128xi32, #tpu.memory_space<vmem>>) semaphore(%arg14 : memref<!tpu.dma_semaphore, #tpu.memory_space<semaphore_mem>>)
        %scan3A_215 = arith.constant 0 : i32
        scf.yield %scan3A_215 : i32
      }
      %scan3A_55 = arith.constant 19 : i32
      %dma_wait3A = arith.constant 38 : i32
      %dma_wait3A_56 = arith.constant 0 : i32
      %dma_wait3A_57 = tpu.memref_slice %arg8[%dma_wait3A, %dma_wait3A_56] : memref<40x128xi32, #tpu.memory_space<vmem>> -> memref<1x128xi32, #tpu.memory_space<vmem>>
      %dma_wait3A_58 = tpu.memref_squeeze %dma_wait3A_57 : memref<1x128xi32, #tpu.memory_space<vmem>> -> memref<128xi32, #tpu.memory_space<vmem>>
      %dma_wait3A_59 = arith.constant 0 : i32
      %dma_wait3A_60 = arith.constant 0 : i32
      %dma_wait3A_61 = tpu.memref_slice %arg2[%dma_wait3A_59, %dma_wait3A_60] : memref<10000x128xf32, #tpu.memory_space<hbm>> -> memref<10000x128xf32, #tpu.memory_space<hbm>>
      tpu.wait_indirect_dma semaphore(%arg13 : memref<!tpu.dma_semaphore, #tpu.memory_space<semaphore_mem>>) src(%dma_wait3A_61 : memref<10000x128xf32, #tpu.memory_space<hbm>>) dst(%arg10 : memref<128x128xf32, #tpu.memory_space<vmem>>)
      %run_scoped3A = arith.constant 38 : i32
      "tpu.region"() ({
        %run_scoped3A_181 = tpu.sem_alloc : memref<!tpu.dma_semaphore, #tpu.memory_space<semaphore_mem>>
        %dma_start3A_182 = arith.constant 0 : i32
        %dma_start3A_183 = tpu.memref_slice %arg9[%run_scoped3A, %dma_start3A_182] : memref<40x128xi32, #tpu.memory_space<vmem>> -> memref<1x128xi32, #tpu.memory_space<vmem>>
        %dma_start3A_184 = tpu.memref_squeeze %dma_start3A_183 : memref<1x128xi32, #tpu.memory_space<vmem>> -> memref<128xi32, #tpu.memory_space<vmem>>
        %dma_start3A_185 = arith.constant 0 : i32
        %dma_start3A_186 = arith.constant 0 : i32
        %dma_start3A_187 = tpu.memref_slice %arg12[%dma_start3A_185, %dma_start3A_186] : memref<10112x128xf32, #tpu.memory_space<vmem_shared>> -> memref<10112x128xf32, #tpu.memory_space<vmem_shared>>
        tpu.enqueue_indirect_dma source(%arg10 : memref<128x128xf32, #tpu.memory_space<vmem>>) target(%dma_start3A_187 : memref<10112x128xf32, #tpu.memory_space<vmem_shared>>) offsets(%dma_start3A_184 : memref<128xi32, #tpu.memory_space<vmem>>) semaphore(%run_scoped3A_181 : memref<!tpu.dma_semaphore, #tpu.memory_space<semaphore_mem>>) {add = true}
        %dma_wait3A_188 = arith.constant 0 : i32
        %dma_wait3A_189 = tpu.memref_slice %arg9[%run_scoped3A, %dma_wait3A_188] : memref<40x128xi32, #tpu.memory_space<vmem>> -> memref<1x128xi32, #tpu.memory_space<vmem>>
        %dma_wait3A_190 = tpu.memref_squeeze %dma_wait3A_189 : memref<1x128xi32, #tpu.memory_space<vmem>> -> memref<128xi32, #tpu.memory_space<vmem>>
        %dma_wait3A_191 = arith.constant 0 : i32
        %dma_wait3A_192 = arith.constant 0 : i32
        %dma_wait3A_193 = tpu.memref_slice %arg12[%dma_wait3A_191, %dma_wait3A_192] : memref<10112x128xf32, #tpu.memory_space<vmem_shared>> -> memref<10112x128xf32, #tpu.memory_space<vmem_shared>>
        tpu.wait_indirect_dma semaphore(%run_scoped3A_181 : memref<!tpu.dma_semaphore, #tpu.memory_space<semaphore_mem>>) src(%arg10 : memref<128x128xf32, #tpu.memory_space<vmem>>) dst(%dma_wait3A_193 : memref<10112x128xf32, #tpu.memory_space<vmem_shared>>)
        tpu.yield
      }) : () -> ()
      %dma_wait3A_62 = arith.constant 39 : i32
      %dma_wait3A_63 = arith.constant 0 : i32
      %dma_wait3A_64 = tpu.memref_slice %arg8[%dma_wait3A_62, %dma_wait3A_63] : memref<40x128xi32, #tpu.memory_space<vmem>> -> memref<1x128xi32, #tpu.memory_space<vmem>>
      %dma_wait3A_65 = tpu.memref_squeeze %dma_wait3A_64 : memref<1x128xi32, #tpu.memory_space<vmem>> -> memref<128xi32, #tpu.memory_space<vmem>>
      %dma_wait3A_66 = arith.constant 0 : i32
      %dma_wait3A_67 = arith.constant 0 : i32
      %dma_wait3A_68 = tpu.memref_slice %arg2[%dma_wait3A_66, %dma_wait3A_67] : memref<10000x128xf32, #tpu.memory_space<hbm>> -> memref<10000x128xf32, #tpu.memory_space<hbm>>
      tpu.wait_indirect_dma semaphore(%arg14 : memref<!tpu.dma_semaphore, #tpu.memory_space<semaphore_mem>>) src(%dma_wait3A_68 : memref<10000x128xf32, #tpu.memory_space<hbm>>) dst(%arg11 : memref<128x128xf32, #tpu.memory_space<vmem>>)
      %run_scoped3A_69 = arith.constant 39 : i32
      "tpu.region"() ({
        %run_scoped3A_181 = tpu.sem_alloc : memref<!tpu.dma_semaphore, #tpu.memory_space<semaphore_mem>>
        %dma_start3A_182 = arith.constant 0 : i32
        %dma_start3A_183 = tpu.memref_slice %arg9[%run_scoped3A_69, %dma_start3A_182] : memref<40x128xi32, #tpu.memory_space<vmem>> -> memref<1x128xi32, #tpu.memory_space<vmem>>
        %dma_start3A_184 = tpu.memref_squeeze %dma_start3A_183 : memref<1x128xi32, #tpu.memory_space<vmem>> -> memref<128xi32, #tpu.memory_space<vmem>>
        %dma_start3A_185 = arith.constant 0 : i32
        %dma_start3A_186 = arith.constant 0 : i32
        %dma_start3A_187 = tpu.memref_slice %arg12[%dma_start3A_185, %dma_start3A_186] : memref<10112x128xf32, #tpu.memory_space<vmem_shared>> -> memref<10112x128xf32, #tpu.memory_space<vmem_shared>>
        tpu.enqueue_indirect_dma source(%arg11 : memref<128x128xf32, #tpu.memory_space<vmem>>) target(%dma_start3A_187 : memref<10112x128xf32, #tpu.memory_space<vmem_shared>>) offsets(%dma_start3A_184 : memref<128xi32, #tpu.memory_space<vmem>>) semaphore(%run_scoped3A_181 : memref<!tpu.dma_semaphore, #tpu.memory_space<semaphore_mem>>) {add = true}
        %dma_wait3A_188 = arith.constant 0 : i32
        %dma_wait3A_189 = tpu.memref_slice %arg9[%run_scoped3A_69, %dma_wait3A_188] : memref<40x128xi32, #tpu.memory_space<vmem>> -> memref<1x128xi32, #tpu.memory_space<vmem>>
        %dma_wait3A_190 = tpu.memref_squeeze %dma_wait3A_189 : memref<1x128xi32, #tpu.memory_space<vmem>> -> memref<128xi32, #tpu.memory_space<vmem>>
        %dma_wait3A_191 = arith.constant 0 : i32
        %dma_wait3A_192 = arith.constant 0 : i32
        %dma_wait3A_193 = tpu.memref_slice %arg12[%dma_wait3A_191, %dma_wait3A_192] : memref<10112x128xf32, #tpu.memory_space<vmem_shared>> -> memref<10112x128xf32, #tpu.memory_space<vmem_shared>>
        tpu.wait_indirect_dma semaphore(%run_scoped3A_181 : memref<!tpu.dma_semaphore, #tpu.memory_space<semaphore_mem>>) src(%arg11 : memref<128x128xf32, #tpu.memory_space<vmem>>) dst(%dma_wait3A_193 : memref<10112x128xf32, #tpu.memory_space<vmem_shared>>)
        tpu.yield
      }) : () -> ()
      "tpu.region"() ({
        %run_scoped3A_181 = tpu.sem_alloc : memref<!tpu.dma_semaphore, #tpu.memory_space<semaphore_mem>>
        %dma_start3A_182 = arith.constant 0 : i32
        %dma_start3A_183 = arith.constant 0 : i32
        %dma_start3A_184 = tpu.memref_slice %arg8[%dma_start3A_182, %dma_start3A_183] : memref<40x128xi32, #tpu.memory_space<vmem>> -> memref<40x128xi32, #tpu.memory_space<vmem>>
        %dma_start3A_185 = arith.constant 40 : i32
        %dma_start3A_186 = arith.constant 0 : i32
        %dma_start3A_187 = tpu.memref_slice %arg3[%arg1, %dma_start3A_185, %dma_start3A_186] : memref<16x146x128xi32, #tpu.memory_space<hbm>> -> memref<1x40x128xi32, #tpu.memory_space<hbm>>
        %dma_start3A_188 = tpu.memref_squeeze %dma_start3A_187 : memref<1x40x128xi32, #tpu.memory_space<hbm>> -> memref<40x128xi32, #tpu.memory_space<hbm>>
        %dma_start3A_189 = arith.constant 0 : i32
        %dma_start3A_190 = arith.constant 0 : i32
        %dma_start3A_191 = tpu.memref_slice %arg8[%dma_start3A_189, %dma_start3A_190] : memref<40x128xi32, #tpu.memory_space<vmem>> -> memref<40x128xi32, #tpu.memory_space<vmem>>
        %dma_start3A_192 = arith.constant 40 : i32
        %dma_start3A_193 = arith.constant 0 : i32
        %dma_start3A_194 = tpu.memref_slice %arg3[%arg1, %dma_start3A_192, %dma_start3A_193] : memref<16x146x128xi32, #tpu.memory_space<hbm>> -> memref<1x40x128xi32, #tpu.memory_space<hbm>>
        %dma_start3A_195 = tpu.memref_squeeze %dma_start3A_194 : memref<1x40x128xi32, #tpu.memory_space<hbm>> -> memref<40x128xi32, #tpu.memory_space<hbm>>
        tpu.enqueue_dma source(%dma_start3A_195 : memref<40x128xi32, #tpu.memory_space<hbm>>) target(%dma_start3A_191 : memref<40x128xi32, #tpu.memory_space<vmem>>) target_semaphore(%run_scoped3A_181 : memref<!tpu.dma_semaphore, #tpu.memory_space<semaphore_mem>>)
        %dma_wait3A_196 = arith.constant 0 : i32
        %dma_wait3A_197 = arith.constant 0 : i32
        %dma_wait3A_198 = tpu.memref_slice %arg8[%dma_wait3A_196, %dma_wait3A_197] : memref<40x128xi32, #tpu.memory_space<vmem>> -> memref<40x128xi32, #tpu.memory_space<vmem>>
        %dma_wait3A_199 = arith.constant 40 : i32
        %dma_wait3A_200 = arith.constant 0 : i32
        %dma_wait3A_201 = tpu.memref_slice %arg3[%arg1, %dma_wait3A_199, %dma_wait3A_200] : memref<16x146x128xi32, #tpu.memory_space<hbm>> -> memref<1x40x128xi32, #tpu.memory_space<hbm>>
        %dma_wait3A_202 = tpu.memref_squeeze %dma_wait3A_201 : memref<1x40x128xi32, #tpu.memory_space<hbm>> -> memref<40x128xi32, #tpu.memory_space<hbm>>
        %dma_wait3A_203 = arith.constant 0 : i32
        %dma_wait3A_204 = arith.constant 0 : i32
        %dma_wait3A_205 = tpu.memref_slice %arg8[%dma_wait3A_203, %dma_wait3A_204] : memref<40x128xi32, #tpu.memory_space<vmem>> -> memref<40x128xi32, #tpu.memory_space<vmem>>
        %dma_wait3A_206 = arith.constant 40 : i32
        %dma_wait3A_207 = arith.constant 0 : i32
        %dma_wait3A_208 = tpu.memref_slice %arg3[%arg1, %dma_wait3A_206, %dma_wait3A_207] : memref<16x146x128xi32, #tpu.memory_space<hbm>> -> memref<1x40x128xi32, #tpu.memory_space<hbm>>
        %dma_wait3A_209 = tpu.memref_squeeze %dma_wait3A_208 : memref<1x40x128xi32, #tpu.memory_space<hbm>> -> memref<40x128xi32, #tpu.memory_space<hbm>>
        tpu.wait_dma2 semaphore(%run_scoped3A_181 : memref<!tpu.dma_semaphore, #tpu.memory_space<semaphore_mem>>) src(%dma_wait3A_209 : memref<40x128xi32, #tpu.memory_space<hbm>>) dst(%dma_wait3A_205 : memref<40x128xi32, #tpu.memory_space<vmem>>)
        tpu.yield
      }) : () -> ()
      "tpu.region"() ({
        %run_scoped3A_181 = tpu.sem_alloc : memref<!tpu.dma_semaphore, #tpu.memory_space<semaphore_mem>>
        %dma_start3A_182 = arith.constant 0 : i32
        %dma_start3A_183 = arith.constant 0 : i32
        %dma_start3A_184 = tpu.memref_slice %arg9[%dma_start3A_182, %dma_start3A_183] : memref<40x128xi32, #tpu.memory_space<vmem>> -> memref<40x128xi32, #tpu.memory_space<vmem>>
        %dma_start3A_185 = arith.constant 40 : i32
        %dma_start3A_186 = arith.constant 0 : i32
        %dma_start3A_187 = tpu.memref_slice %arg4[%arg1, %dma_start3A_185, %dma_start3A_186] : memref<16x146x128xi32, #tpu.memory_space<hbm>> -> memref<1x40x128xi32, #tpu.memory_space<hbm>>
        %dma_start3A_188 = tpu.memref_squeeze %dma_start3A_187 : memref<1x40x128xi32, #tpu.memory_space<hbm>> -> memref<40x128xi32, #tpu.memory_space<hbm>>
        %dma_start3A_189 = arith.constant 0 : i32
        %dma_start3A_190 = arith.constant 0 : i32
        %dma_start3A_191 = tpu.memref_slice %arg9[%dma_start3A_189, %dma_start3A_190] : memref<40x128xi32, #tpu.memory_space<vmem>> -> memref<40x128xi32, #tpu.memory_space<vmem>>
        %dma_start3A_192 = arith.constant 40 : i32
        %dma_start3A_193 = arith.constant 0 : i32
        %dma_start3A_194 = tpu.memref_slice %arg4[%arg1, %dma_start3A_192, %dma_start3A_193] : memref<16x146x128xi32, #tpu.memory_space<hbm>> -> memref<1x40x128xi32, #tpu.memory_space<hbm>>
        %dma_start3A_195 = tpu.memref_squeeze %dma_start3A_194 : memref<1x40x128xi32, #tpu.memory_space<hbm>> -> memref<40x128xi32, #tpu.memory_space<hbm>>
        tpu.enqueue_dma source(%dma_start3A_195 : memref<40x128xi32, #tpu.memory_space<hbm>>) target(%dma_start3A_191 : memref<40x128xi32, #tpu.memory_space<vmem>>) target_semaphore(%run_scoped3A_181 : memref<!tpu.dma_semaphore, #tpu.memory_space<semaphore_mem>>)
        %dma_wait3A_196 = arith.constant 0 : i32
        %dma_wait3A_197 = arith.constant 0 : i32
        %dma_wait3A_198 = tpu.memref_slice %arg9[%dma_wait3A_196, %dma_wait3A_197] : memref<40x128xi32, #tpu.memory_space<vmem>> -> memref<40x128xi32, #tpu.memory_space<vmem>>
        %dma_wait3A_199 = arith.constant 40 : i32
        %dma_wait3A_200 = arith.constant 0 : i32
        %dma_wait3A_201 = tpu.memref_slice %arg4[%arg1, %dma_wait3A_199, %dma_wait3A_200] : memref<16x146x128xi32, #tpu.memory_space<hbm>> -> memref<1x40x128xi32, #tpu.memory_space<hbm>>
        %dma_wait3A_202 = tpu.memref_squeeze %dma_wait3A_201 : memref<1x40x128xi32, #tpu.memory_space<hbm>> -> memref<40x128xi32, #tpu.memory_space<hbm>>
        %dma_wait3A_203 = arith.constant 0 : i32
        %dma_wait3A_204 = arith.constant 0 : i32
        %dma_wait3A_205 = tpu.memref_slice %arg9[%dma_wait3A_203, %dma_wait3A_204] : memref<40x128xi32, #tpu.memory_space<vmem>> -> memref<40x128xi32, #tpu.memory_space<vmem>>
        %dma_wait3A_206 = arith.constant 40 : i32
        %dma_wait3A_207 = arith.constant 0 : i32
        %dma_wait3A_208 = tpu.memref_slice %arg4[%arg1, %dma_wait3A_206, %dma_wait3A_207] : memref<16x146x128xi32, #tpu.memory_space<hbm>> -> memref<1x40x128xi32, #tpu.memory_space<hbm>>
        %dma_wait3A_209 = tpu.memref_squeeze %dma_wait3A_208 : memref<1x40x128xi32, #tpu.memory_space<hbm>> -> memref<40x128xi32, #tpu.memory_space<hbm>>
        tpu.wait_dma2 semaphore(%run_scoped3A_181 : memref<!tpu.dma_semaphore, #tpu.memory_space<semaphore_mem>>) src(%dma_wait3A_209 : memref<40x128xi32, #tpu.memory_space<hbm>>) dst(%dma_wait3A_205 : memref<40x128xi32, #tpu.memory_space<vmem>>)
        tpu.yield
      }) : () -> ()
      %dma_start3A_70 = arith.constant 0 : i32
      %dma_start3A_71 = arith.constant 0 : i32
      %dma_start3A_72 = tpu.memref_slice %arg8[%dma_start3A_70, %dma_start3A_71] : memref<40x128xi32, #tpu.memory_space<vmem>> -> memref<1x128xi32, #tpu.memory_space<vmem>>
      %dma_start3A_73 = tpu.memref_squeeze %dma_start3A_72 : memref<1x128xi32, #tpu.memory_space<vmem>> -> memref<128xi32, #tpu.memory_space<vmem>>
      %dma_start3A_74 = arith.constant 0 : i32
      %dma_start3A_75 = arith.constant 0 : i32
      %dma_start3A_76 = tpu.memref_slice %arg2[%dma_start3A_74, %dma_start3A_75] : memref<10000x128xf32, #tpu.memory_space<hbm>> -> memref<10000x128xf32, #tpu.memory_space<hbm>>
      tpu.enqueue_indirect_dma source(%dma_start3A_76 : memref<10000x128xf32, #tpu.memory_space<hbm>>) target(%arg10 : memref<128x128xf32, #tpu.memory_space<vmem>>) offsets(%dma_start3A_73 : memref<128xi32, #tpu.memory_space<vmem>>) semaphore(%arg13 : memref<!tpu.dma_semaphore, #tpu.memory_space<semaphore_mem>>)
      %dma_start3A_77 = arith.constant 1 : i32
      %dma_start3A_78 = arith.constant 0 : i32
      %dma_start3A_79 = tpu.memref_slice %arg8[%dma_start3A_77, %dma_start3A_78] : memref<40x128xi32, #tpu.memory_space<vmem>> -> memref<1x128xi32, #tpu.memory_space<vmem>>
      %dma_start3A_80 = tpu.memref_squeeze %dma_start3A_79 : memref<1x128xi32, #tpu.memory_space<vmem>> -> memref<128xi32, #tpu.memory_space<vmem>>
      %dma_start3A_81 = arith.constant 0 : i32
      %dma_start3A_82 = arith.constant 0 : i32
      %dma_start3A_83 = tpu.memref_slice %arg2[%dma_start3A_81, %dma_start3A_82] : memref<10000x128xf32, #tpu.memory_space<hbm>> -> memref<10000x128xf32, #tpu.memory_space<hbm>>
      tpu.enqueue_indirect_dma source(%dma_start3A_83 : memref<10000x128xf32, #tpu.memory_space<hbm>>) target(%arg11 : memref<128x128xf32, #tpu.memory_space<vmem>>) offsets(%dma_start3A_80 : memref<128xi32, #tpu.memory_space<vmem>>) semaphore(%arg14 : memref<!tpu.dma_semaphore, #tpu.memory_space<semaphore_mem>>)
      %scan3A_84 = arith.constant 0 : i32
      %scan3A_85 = arith.constant 0 : i32
      %scan3A_86 = arith.constant 19 : i32
      %scan3A_87 = arith.addi %scan3A_85, %scan3A_86 : i32
      %scan3A_88 = arith.constant 1 : i32
      %scan3A_89 = scf.for %scan3A_181 = %scan3A_85 to %scan3A_87 step %scan3A_88 iter_args(%scan3A_182 = %scan3A_84) -> (i32)  : i32 {
        %mul3A_183 = arith.constant 2 : i32
        %mul3A_184 = arith.muli %mul3A_183, %scan3A_181 : i32
        %add3A_185 = arith.constant 1 : i32
        %add3A_186 = arith.addi %mul3A_184, %add3A_185 : i32
        %dma_wait3A_187 = arith.constant 0 : i32
        %dma_wait3A_188 = tpu.memref_slice %arg8[%mul3A_184, %dma_wait3A_187] : memref<40x128xi32, #tpu.memory_space<vmem>> -> memref<1x128xi32, #tpu.memory_space<vmem>>
        %dma_wait3A_189 = tpu.memref_squeeze %dma_wait3A_188 : memref<1x128xi32, #tpu.memory_space<vmem>> -> memref<128xi32, #tpu.memory_space<vmem>>
        %dma_wait3A_190 = arith.constant 0 : i32
        %dma_wait3A_191 = arith.constant 0 : i32
        %dma_wait3A_192 = tpu.memref_slice %arg2[%dma_wait3A_190, %dma_wait3A_191] : memref<10000x128xf32, #tpu.memory_space<hbm>> -> memref<10000x128xf32, #tpu.memory_space<hbm>>
        tpu.wait_indirect_dma semaphore(%arg13 : memref<!tpu.dma_semaphore, #tpu.memory_space<semaphore_mem>>) src(%dma_wait3A_192 : memref<10000x128xf32, #tpu.memory_space<hbm>>) dst(%arg10 : memref<128x128xf32, #tpu.memory_space<vmem>>)
        "tpu.region"() ({
          %run_scoped3A_216 = tpu.sem_alloc : memref<!tpu.dma_semaphore, #tpu.memory_space<semaphore_mem>>
          %dma_start3A_217 = arith.constant 0 : i32
          %dma_start3A_218 = tpu.memref_slice %arg9[%mul3A_184, %dma_start3A_217] : memref<40x128xi32, #tpu.memory_space<vmem>> -> memref<1x128xi32, #tpu.memory_space<vmem>>
          %dma_start3A_219 = tpu.memref_squeeze %dma_start3A_218 : memref<1x128xi32, #tpu.memory_space<vmem>> -> memref<128xi32, #tpu.memory_space<vmem>>
          %dma_start3A_220 = arith.constant 0 : i32
          %dma_start3A_221 = arith.constant 0 : i32
          %dma_start3A_222 = tpu.memref_slice %arg12[%dma_start3A_220, %dma_start3A_221] : memref<10112x128xf32, #tpu.memory_space<vmem_shared>> -> memref<10112x128xf32, #tpu.memory_space<vmem_shared>>
          tpu.enqueue_indirect_dma source(%arg10 : memref<128x128xf32, #tpu.memory_space<vmem>>) target(%dma_start3A_222 : memref<10112x128xf32, #tpu.memory_space<vmem_shared>>) offsets(%dma_start3A_219 : memref<128xi32, #tpu.memory_space<vmem>>) semaphore(%run_scoped3A_216 : memref<!tpu.dma_semaphore, #tpu.memory_space<semaphore_mem>>) {add = true}
          %dma_wait3A_223 = arith.constant 0 : i32
          %dma_wait3A_224 = tpu.memref_slice %arg9[%mul3A_184, %dma_wait3A_223] : memref<40x128xi32, #tpu.memory_space<vmem>> -> memref<1x128xi32, #tpu.memory_space<vmem>>
          %dma_wait3A_225 = tpu.memref_squeeze %dma_wait3A_224 : memref<1x128xi32, #tpu.memory_space<vmem>> -> memref<128xi32, #tpu.memory_space<vmem>>
          %dma_wait3A_226 = arith.constant 0 : i32
          %dma_wait3A_227 = arith.constant 0 : i32
          %dma_wait3A_228 = tpu.memref_slice %arg12[%dma_wait3A_226, %dma_wait3A_227] : memref<10112x128xf32, #tpu.memory_space<vmem_shared>> -> memref<10112x128xf32, #tpu.memory_space<vmem_shared>>
          tpu.wait_indirect_dma semaphore(%run_scoped3A_216 : memref<!tpu.dma_semaphore, #tpu.memory_space<semaphore_mem>>) src(%arg10 : memref<128x128xf32, #tpu.memory_space<vmem>>) dst(%dma_wait3A_228 : memref<10112x128xf32, #tpu.memory_space<vmem_shared>>)
          tpu.yield
        }) : () -> ()
        %add3A_193 = arith.constant 2 : i32
        %add3A_194 = arith.addi %mul3A_184, %add3A_193 : i32
        %dma_start3A_195 = arith.constant 0 : i32
        %dma_start3A_196 = tpu.memref_slice %arg8[%add3A_194, %dma_start3A_195] : memref<40x128xi32, #tpu.memory_space<vmem>> -> memref<1x128xi32, #tpu.memory_space<vmem>>
        %dma_start3A_197 = tpu.memref_squeeze %dma_start3A_196 : memref<1x128xi32, #tpu.memory_space<vmem>> -> memref<128xi32, #tpu.memory_space<vmem>>
        %dma_start3A_198 = arith.constant 0 : i32
        %dma_start3A_199 = arith.constant 0 : i32
        %dma_start3A_200 = tpu.memref_slice %arg2[%dma_start3A_198, %dma_start3A_199] : memref<10000x128xf32, #tpu.memory_space<hbm>> -> memref<10000x128xf32, #tpu.memory_space<hbm>>
        tpu.enqueue_indirect_dma source(%dma_start3A_200 : memref<10000x128xf32, #tpu.memory_space<hbm>>) target(%arg10 : memref<128x128xf32, #tpu.memory_space<vmem>>) offsets(%dma_start3A_197 : memref<128xi32, #tpu.memory_space<vmem>>) semaphore(%arg13 : memref<!tpu.dma_semaphore, #tpu.memory_space<semaphore_mem>>)
        %dma_wait3A_201 = arith.constant 0 : i32
        %dma_wait3A_202 = tpu.memref_slice %arg8[%add3A_186, %dma_wait3A_201] : memref<40x128xi32, #tpu.memory_space<vmem>> -> memref<1x128xi32, #tpu.memory_space<vmem>>
        %dma_wait3A_203 = tpu.memref_squeeze %dma_wait3A_202 : memref<1x128xi32, #tpu.memory_space<vmem>> -> memref<128xi32, #tpu.memory_space<vmem>>
        %dma_wait3A_204 = arith.constant 0 : i32
        %dma_wait3A_205 = arith.constant 0 : i32
        %dma_wait3A_206 = tpu.memref_slice %arg2[%dma_wait3A_204, %dma_wait3A_205] : memref<10000x128xf32, #tpu.memory_space<hbm>> -> memref<10000x128xf32, #tpu.memory_space<hbm>>
        tpu.wait_indirect_dma semaphore(%arg14 : memref<!tpu.dma_semaphore, #tpu.memory_space<semaphore_mem>>) src(%dma_wait3A_206 : memref<10000x128xf32, #tpu.memory_space<hbm>>) dst(%arg11 : memref<128x128xf32, #tpu.memory_space<vmem>>)
        "tpu.region"() ({
          %run_scoped3A_216 = tpu.sem_alloc : memref<!tpu.dma_semaphore, #tpu.memory_space<semaphore_mem>>
          %dma_start3A_217 = arith.constant 0 : i32
          %dma_start3A_218 = tpu.memref_slice %arg9[%add3A_186, %dma_start3A_217] : memref<40x128xi32, #tpu.memory_space<vmem>> -> memref<1x128xi32, #tpu.memory_space<vmem>>
          %dma_start3A_219 = tpu.memref_squeeze %dma_start3A_218 : memref<1x128xi32, #tpu.memory_space<vmem>> -> memref<128xi32, #tpu.memory_space<vmem>>
          %dma_start3A_220 = arith.constant 0 : i32
          %dma_start3A_221 = arith.constant 0 : i32
          %dma_start3A_222 = tpu.memref_slice %arg12[%dma_start3A_220, %dma_start3A_221] : memref<10112x128xf32, #tpu.memory_space<vmem_shared>> -> memref<10112x128xf32, #tpu.memory_space<vmem_shared>>
          tpu.enqueue_indirect_dma source(%arg11 : memref<128x128xf32, #tpu.memory_space<vmem>>) target(%dma_start3A_222 : memref<10112x128xf32, #tpu.memory_space<vmem_shared>>) offsets(%dma_start3A_219 : memref<128xi32, #tpu.memory_space<vmem>>) semaphore(%run_scoped3A_216 : memref<!tpu.dma_semaphore, #tpu.memory_space<semaphore_mem>>) {add = true}
          %dma_wait3A_223 = arith.constant 0 : i32
          %dma_wait3A_224 = tpu.memref_slice %arg9[%add3A_186, %dma_wait3A_223] : memref<40x128xi32, #tpu.memory_space<vmem>> -> memref<1x128xi32, #tpu.memory_space<vmem>>
          %dma_wait3A_225 = tpu.memref_squeeze %dma_wait3A_224 : memref<1x128xi32, #tpu.memory_space<vmem>> -> memref<128xi32, #tpu.memory_space<vmem>>
          %dma_wait3A_226 = arith.constant 0 : i32
          %dma_wait3A_227 = arith.constant 0 : i32
          %dma_wait3A_228 = tpu.memref_slice %arg12[%dma_wait3A_226, %dma_wait3A_227] : memref<10112x128xf32, #tpu.memory_space<vmem_shared>> -> memref<10112x128xf32, #tpu.memory_space<vmem_shared>>
          tpu.wait_indirect_dma semaphore(%run_scoped3A_216 : memref<!tpu.dma_semaphore, #tpu.memory_space<semaphore_mem>>) src(%arg11 : memref<128x128xf32, #tpu.memory_space<vmem>>) dst(%dma_wait3A_228 : memref<10112x128xf32, #tpu.memory_space<vmem_shared>>)
          tpu.yield
        }) : () -> ()
        %add3A_207 = arith.constant 2 : i32
        %add3A_208 = arith.addi %add3A_186, %add3A_207 : i32
        %dma_start3A_209 = arith.constant 0 : i32
        %dma_start3A_210 = tpu.memref_slice %arg8[%add3A_208, %dma_start3A_209] : memref<40x128xi32, #tpu.memory_space<vmem>> -> memref<1x128xi32, #tpu.memory_space<vmem>>
        %dma_start3A_211 = tpu.memref_squeeze %dma_start3A_210 : memref<1x128xi32, #tpu.memory_space<vmem>> -> memref<128xi32, #tpu.memory_space<vmem>>
        %dma_start3A_212 = arith.constant 0 : i32
        %dma_start3A_213 = arith.constant 0 : i32
        %dma_start3A_214 = tpu.memref_slice %arg2[%dma_start3A_212, %dma_start3A_213] : memref<10000x128xf32, #tpu.memory_space<hbm>> -> memref<10000x128xf32, #tpu.memory_space<hbm>>
        tpu.enqueue_indirect_dma source(%dma_start3A_214 : memref<10000x128xf32, #tpu.memory_space<hbm>>) target(%arg11 : memref<128x128xf32, #tpu.memory_space<vmem>>) offsets(%dma_start3A_211 : memref<128xi32, #tpu.memory_space<vmem>>) semaphore(%arg14 : memref<!tpu.dma_semaphore, #tpu.memory_space<semaphore_mem>>)
        %scan3A_215 = arith.constant 0 : i32
        scf.yield %scan3A_215 : i32
      }
      %scan3A_90 = arith.constant 19 : i32
      %dma_wait3A_91 = arith.constant 38 : i32
      %dma_wait3A_92 = arith.constant 0 : i32
      %dma_wait3A_93 = tpu.memref_slice %arg8[%dma_wait3A_91, %dma_wait3A_92] : memref<40x128xi32, #tpu.memory_space<vmem>> -> memref<1x128xi32, #tpu.memory_space<vmem>>
      %dma_wait3A_94 = tpu.memref_squeeze %dma_wait3A_93 : memref<1x128xi32, #tpu.memory_space<vmem>> -> memref<128xi32, #tpu.memory_space<vmem>>
      %dma_wait3A_95 = arith.constant 0 : i32
      %dma_wait3A_96 = arith.constant 0 : i32
      %dma_wait3A_97 = tpu.memref_slice %arg2[%dma_wait3A_95, %dma_wait3A_96] : memref<10000x128xf32, #tpu.memory_space<hbm>> -> memref<10000x128xf32, #tpu.memory_space<hbm>>
      tpu.wait_indirect_dma semaphore(%arg13 : memref<!tpu.dma_semaphore, #tpu.memory_space<semaphore_mem>>) src(%dma_wait3A_97 : memref<10000x128xf32, #tpu.memory_space<hbm>>) dst(%arg10 : memref<128x128xf32, #tpu.memory_space<vmem>>)
      %run_scoped3A_98 = arith.constant 38 : i32
      "tpu.region"() ({
        %run_scoped3A_181 = tpu.sem_alloc : memref<!tpu.dma_semaphore, #tpu.memory_space<semaphore_mem>>
        %dma_start3A_182 = arith.constant 0 : i32
        %dma_start3A_183 = tpu.memref_slice %arg9[%run_scoped3A_98, %dma_start3A_182] : memref<40x128xi32, #tpu.memory_space<vmem>> -> memref<1x128xi32, #tpu.memory_space<vmem>>
        %dma_start3A_184 = tpu.memref_squeeze %dma_start3A_183 : memref<1x128xi32, #tpu.memory_space<vmem>> -> memref<128xi32, #tpu.memory_space<vmem>>
        %dma_start3A_185 = arith.constant 0 : i32
        %dma_start3A_186 = arith.constant 0 : i32
        %dma_start3A_187 = tpu.memref_slice %arg12[%dma_start3A_185, %dma_start3A_186] : memref<10112x128xf32, #tpu.memory_space<vmem_shared>> -> memref<10112x128xf32, #tpu.memory_space<vmem_shared>>
        tpu.enqueue_indirect_dma source(%arg10 : memref<128x128xf32, #tpu.memory_space<vmem>>) target(%dma_start3A_187 : memref<10112x128xf32, #tpu.memory_space<vmem_shared>>) offsets(%dma_start3A_184 : memref<128xi32, #tpu.memory_space<vmem>>) semaphore(%run_scoped3A_181 : memref<!tpu.dma_semaphore, #tpu.memory_space<semaphore_mem>>) {add = true}
        %dma_wait3A_188 = arith.constant 0 : i32
        %dma_wait3A_189 = tpu.memref_slice %arg9[%run_scoped3A_98, %dma_wait3A_188] : memref<40x128xi32, #tpu.memory_space<vmem>> -> memref<1x128xi32, #tpu.memory_space<vmem>>
        %dma_wait3A_190 = tpu.memref_squeeze %dma_wait3A_189 : memref<1x128xi32, #tpu.memory_space<vmem>> -> memref<128xi32, #tpu.memory_space<vmem>>
        %dma_wait3A_191 = arith.constant 0 : i32
        %dma_wait3A_192 = arith.constant 0 : i32
        %dma_wait3A_193 = tpu.memref_slice %arg12[%dma_wait3A_191, %dma_wait3A_192] : memref<10112x128xf32, #tpu.memory_space<vmem_shared>> -> memref<10112x128xf32, #tpu.memory_space<vmem_shared>>
        tpu.wait_indirect_dma semaphore(%run_scoped3A_181 : memref<!tpu.dma_semaphore, #tpu.memory_space<semaphore_mem>>) src(%arg10 : memref<128x128xf32, #tpu.memory_space<vmem>>) dst(%dma_wait3A_193 : memref<10112x128xf32, #tpu.memory_space<vmem_shared>>)
        tpu.yield
      }) : () -> ()
      %dma_wait3A_99 = arith.constant 39 : i32
      %dma_wait3A_100 = arith.constant 0 : i32
      %dma_wait3A_101 = tpu.memref_slice %arg8[%dma_wait3A_99, %dma_wait3A_100] : memref<40x128xi32, #tpu.memory_space<vmem>> -> memref<1x128xi32, #tpu.memory_space<vmem>>
      %dma_wait3A_102 = tpu.memref_squeeze %dma_wait3A_101 : memref<1x128xi32, #tpu.memory_space<vmem>> -> memref<128xi32, #tpu.memory_space<vmem>>
      %dma_wait3A_103 = arith.constant 0 : i32
      %dma_wait3A_104 = arith.constant 0 : i32
      %dma_wait3A_105 = tpu.memref_slice %arg2[%dma_wait3A_103, %dma_wait3A_104] : memref<10000x128xf32, #tpu.memory_space<hbm>> -> memref<10000x128xf32, #tpu.memory_space<hbm>>
      tpu.wait_indirect_dma semaphore(%arg14 : memref<!tpu.dma_semaphore, #tpu.memory_space<semaphore_mem>>) src(%dma_wait3A_105 : memref<10000x128xf32, #tpu.memory_space<hbm>>) dst(%arg11 : memref<128x128xf32, #tpu.memory_space<vmem>>)
      %run_scoped3A_106 = arith.constant 39 : i32
      "tpu.region"() ({
        %run_scoped3A_181 = tpu.sem_alloc : memref<!tpu.dma_semaphore, #tpu.memory_space<semaphore_mem>>
        %dma_start3A_182 = arith.constant 0 : i32
        %dma_start3A_183 = tpu.memref_slice %arg9[%run_scoped3A_106, %dma_start3A_182] : memref<40x128xi32, #tpu.memory_space<vmem>> -> memref<1x128xi32, #tpu.memory_space<vmem>>
        %dma_start3A_184 = tpu.memref_squeeze %dma_start3A_183 : memref<1x128xi32, #tpu.memory_space<vmem>> -> memref<128xi32, #tpu.memory_space<vmem>>
        %dma_start3A_185 = arith.constant 0 : i32
        %dma_start3A_186 = arith.constant 0 : i32
        %dma_start3A_187 = tpu.memref_slice %arg12[%dma_start3A_185, %dma_start3A_186] : memref<10112x128xf32, #tpu.memory_space<vmem_shared>> -> memref<10112x128xf32, #tpu.memory_space<vmem_shared>>
        tpu.enqueue_indirect_dma source(%arg11 : memref<128x128xf32, #tpu.memory_space<vmem>>) target(%dma_start3A_187 : memref<10112x128xf32, #tpu.memory_space<vmem_shared>>) offsets(%dma_start3A_184 : memref<128xi32, #tpu.memory_space<vmem>>) semaphore(%run_scoped3A_181 : memref<!tpu.dma_semaphore, #tpu.memory_space<semaphore_mem>>) {add = true}
        %dma_wait3A_188 = arith.constant 0 : i32
        %dma_wait3A_189 = tpu.memref_slice %arg9[%run_scoped3A_106, %dma_wait3A_188] : memref<40x128xi32, #tpu.memory_space<vmem>> -> memref<1x128xi32, #tpu.memory_space<vmem>>
        %dma_wait3A_190 = tpu.memref_squeeze %dma_wait3A_189 : memref<1x128xi32, #tpu.memory_space<vmem>> -> memref<128xi32, #tpu.memory_space<vmem>>
        %dma_wait3A_191 = arith.constant 0 : i32
        %dma_wait3A_192 = arith.constant 0 : i32
        %dma_wait3A_193 = tpu.memref_slice %arg12[%dma_wait3A_191, %dma_wait3A_192] : memref<10112x128xf32, #tpu.memory_space<vmem_shared>> -> memref<10112x128xf32, #tpu.memory_space<vmem_shared>>
        tpu.wait_indirect_dma semaphore(%run_scoped3A_181 : memref<!tpu.dma_semaphore, #tpu.memory_space<semaphore_mem>>) src(%arg11 : memref<128x128xf32, #tpu.memory_space<vmem>>) dst(%dma_wait3A_193 : memref<10112x128xf32, #tpu.memory_space<vmem_shared>>)
        tpu.yield
      }) : () -> ()
      "tpu.region"() ({
        %run_scoped3A_181 = tpu.sem_alloc : memref<!tpu.dma_semaphore, #tpu.memory_space<semaphore_mem>>
        %dma_start3A_182 = arith.constant 0 : i32
        %dma_start3A_183 = arith.constant 0 : i32
        %dma_start3A_184 = tpu.memref_slice %arg8[%dma_start3A_182, %dma_start3A_183] : memref<40x128xi32, #tpu.memory_space<vmem>> -> memref<40x128xi32, #tpu.memory_space<vmem>>
        %dma_start3A_185 = arith.constant 80 : i32
        %dma_start3A_186 = arith.constant 0 : i32
        %dma_start3A_187 = tpu.memref_slice %arg3[%arg1, %dma_start3A_185, %dma_start3A_186] : memref<16x146x128xi32, #tpu.memory_space<hbm>> -> memref<1x40x128xi32, #tpu.memory_space<hbm>>
        %dma_start3A_188 = tpu.memref_squeeze %dma_start3A_187 : memref<1x40x128xi32, #tpu.memory_space<hbm>> -> memref<40x128xi32, #tpu.memory_space<hbm>>
        %dma_start3A_189 = arith.constant 0 : i32
        %dma_start3A_190 = arith.constant 0 : i32
        %dma_start3A_191 = tpu.memref_slice %arg8[%dma_start3A_189, %dma_start3A_190] : memref<40x128xi32, #tpu.memory_space<vmem>> -> memref<40x128xi32, #tpu.memory_space<vmem>>
        %dma_start3A_192 = arith.constant 80 : i32
        %dma_start3A_193 = arith.constant 0 : i32
        %dma_start3A_194 = tpu.memref_slice %arg3[%arg1, %dma_start3A_192, %dma_start3A_193] : memref<16x146x128xi32, #tpu.memory_space<hbm>> -> memref<1x40x128xi32, #tpu.memory_space<hbm>>
        %dma_start3A_195 = tpu.memref_squeeze %dma_start3A_194 : memref<1x40x128xi32, #tpu.memory_space<hbm>> -> memref<40x128xi32, #tpu.memory_space<hbm>>
        tpu.enqueue_dma source(%dma_start3A_195 : memref<40x128xi32, #tpu.memory_space<hbm>>) target(%dma_start3A_191 : memref<40x128xi32, #tpu.memory_space<vmem>>) target_semaphore(%run_scoped3A_181 : memref<!tpu.dma_semaphore, #tpu.memory_space<semaphore_mem>>)
        %dma_wait3A_196 = arith.constant 0 : i32
        %dma_wait3A_197 = arith.constant 0 : i32
        %dma_wait3A_198 = tpu.memref_slice %arg8[%dma_wait3A_196, %dma_wait3A_197] : memref<40x128xi32, #tpu.memory_space<vmem>> -> memref<40x128xi32, #tpu.memory_space<vmem>>
        %dma_wait3A_199 = arith.constant 80 : i32
        %dma_wait3A_200 = arith.constant 0 : i32
        %dma_wait3A_201 = tpu.memref_slice %arg3[%arg1, %dma_wait3A_199, %dma_wait3A_200] : memref<16x146x128xi32, #tpu.memory_space<hbm>> -> memref<1x40x128xi32, #tpu.memory_space<hbm>>
        %dma_wait3A_202 = tpu.memref_squeeze %dma_wait3A_201 : memref<1x40x128xi32, #tpu.memory_space<hbm>> -> memref<40x128xi32, #tpu.memory_space<hbm>>
        %dma_wait3A_203 = arith.constant 0 : i32
        %dma_wait3A_204 = arith.constant 0 : i32
        %dma_wait3A_205 = tpu.memref_slice %arg8[%dma_wait3A_203, %dma_wait3A_204] : memref<40x128xi32, #tpu.memory_space<vmem>> -> memref<40x128xi32, #tpu.memory_space<vmem>>
        %dma_wait3A_206 = arith.constant 80 : i32
        %dma_wait3A_207 = arith.constant 0 : i32
        %dma_wait3A_208 = tpu.memref_slice %arg3[%arg1, %dma_wait3A_206, %dma_wait3A_207] : memref<16x146x128xi32, #tpu.memory_space<hbm>> -> memref<1x40x128xi32, #tpu.memory_space<hbm>>
        %dma_wait3A_209 = tpu.memref_squeeze %dma_wait3A_208 : memref<1x40x128xi32, #tpu.memory_space<hbm>> -> memref<40x128xi32, #tpu.memory_space<hbm>>
        tpu.wait_dma2 semaphore(%run_scoped3A_181 : memref<!tpu.dma_semaphore, #tpu.memory_space<semaphore_mem>>) src(%dma_wait3A_209 : memref<40x128xi32, #tpu.memory_space<hbm>>) dst(%dma_wait3A_205 : memref<40x128xi32, #tpu.memory_space<vmem>>)
        tpu.yield
      }) : () -> ()
      "tpu.region"() ({
        %run_scoped3A_181 = tpu.sem_alloc : memref<!tpu.dma_semaphore, #tpu.memory_space<semaphore_mem>>
        %dma_start3A_182 = arith.constant 0 : i32
        %dma_start3A_183 = arith.constant 0 : i32
        %dma_start3A_184 = tpu.memref_slice %arg9[%dma_start3A_182, %dma_start3A_183] : memref<40x128xi32, #tpu.memory_space<vmem>> -> memref<40x128xi32, #tpu.memory_space<vmem>>
        %dma_start3A_185 = arith.constant 80 : i32
        %dma_start3A_186 = arith.constant 0 : i32
        %dma_start3A_187 = tpu.memref_slice %arg4[%arg1, %dma_start3A_185, %dma_start3A_186] : memref<16x146x128xi32, #tpu.memory_space<hbm>> -> memref<1x40x128xi32, #tpu.memory_space<hbm>>
        %dma_start3A_188 = tpu.memref_squeeze %dma_start3A_187 : memref<1x40x128xi32, #tpu.memory_space<hbm>> -> memref<40x128xi32, #tpu.memory_space<hbm>>
        %dma_start3A_189 = arith.constant 0 : i32
        %dma_start3A_190 = arith.constant 0 : i32
        %dma_start3A_191 = tpu.memref_slice %arg9[%dma_start3A_189, %dma_start3A_190] : memref<40x128xi32, #tpu.memory_space<vmem>> -> memref<40x128xi32, #tpu.memory_space<vmem>>
        %dma_start3A_192 = arith.constant 80 : i32
        %dma_start3A_193 = arith.constant 0 : i32
        %dma_start3A_194 = tpu.memref_slice %arg4[%arg1, %dma_start3A_192, %dma_start3A_193] : memref<16x146x128xi32, #tpu.memory_space<hbm>> -> memref<1x40x128xi32, #tpu.memory_space<hbm>>
        %dma_start3A_195 = tpu.memref_squeeze %dma_start3A_194 : memref<1x40x128xi32, #tpu.memory_space<hbm>> -> memref<40x128xi32, #tpu.memory_space<hbm>>
        tpu.enqueue_dma source(%dma_start3A_195 : memref<40x128xi32, #tpu.memory_space<hbm>>) target(%dma_start3A_191 : memref<40x128xi32, #tpu.memory_space<vmem>>) target_semaphore(%run_scoped3A_181 : memref<!tpu.dma_semaphore, #tpu.memory_space<semaphore_mem>>)
        %dma_wait3A_196 = arith.constant 0 : i32
        %dma_wait3A_197 = arith.constant 0 : i32
        %dma_wait3A_198 = tpu.memref_slice %arg9[%dma_wait3A_196, %dma_wait3A_197] : memref<40x128xi32, #tpu.memory_space<vmem>> -> memref<40x128xi32, #tpu.memory_space<vmem>>
        %dma_wait3A_199 = arith.constant 80 : i32
        %dma_wait3A_200 = arith.constant 0 : i32
        %dma_wait3A_201 = tpu.memref_slice %arg4[%arg1, %dma_wait3A_199, %dma_wait3A_200] : memref<16x146x128xi32, #tpu.memory_space<hbm>> -> memref<1x40x128xi32, #tpu.memory_space<hbm>>
        %dma_wait3A_202 = tpu.memref_squeeze %dma_wait3A_201 : memref<1x40x128xi32, #tpu.memory_space<hbm>> -> memref<40x128xi32, #tpu.memory_space<hbm>>
        %dma_wait3A_203 = arith.constant 0 : i32
        %dma_wait3A_204 = arith.constant 0 : i32
        %dma_wait3A_205 = tpu.memref_slice %arg9[%dma_wait3A_203, %dma_wait3A_204] : memref<40x128xi32, #tpu.memory_space<vmem>> -> memref<40x128xi32, #tpu.memory_space<vmem>>
        %dma_wait3A_206 = arith.constant 80 : i32
        %dma_wait3A_207 = arith.constant 0 : i32
        %dma_wait3A_208 = tpu.memref_slice %arg4[%arg1, %dma_wait3A_206, %dma_wait3A_207] : memref<16x146x128xi32, #tpu.memory_space<hbm>> -> memref<1x40x128xi32, #tpu.memory_space<hbm>>
        %dma_wait3A_209 = tpu.memref_squeeze %dma_wait3A_208 : memref<1x40x128xi32, #tpu.memory_space<hbm>> -> memref<40x128xi32, #tpu.memory_space<hbm>>
        tpu.wait_dma2 semaphore(%run_scoped3A_181 : memref<!tpu.dma_semaphore, #tpu.memory_space<semaphore_mem>>) src(%dma_wait3A_209 : memref<40x128xi32, #tpu.memory_space<hbm>>) dst(%dma_wait3A_205 : memref<40x128xi32, #tpu.memory_space<vmem>>)
        tpu.yield
      }) : () -> ()
      %dma_start3A_107 = arith.constant 0 : i32
      %dma_start3A_108 = arith.constant 0 : i32
      %dma_start3A_109 = tpu.memref_slice %arg8[%dma_start3A_107, %dma_start3A_108] : memref<40x128xi32, #tpu.memory_space<vmem>> -> memref<1x128xi32, #tpu.memory_space<vmem>>
      %dma_start3A_110 = tpu.memref_squeeze %dma_start3A_109 : memref<1x128xi32, #tpu.memory_space<vmem>> -> memref<128xi32, #tpu.memory_space<vmem>>
      %dma_start3A_111 = arith.constant 0 : i32
      %dma_start3A_112 = arith.constant 0 : i32
      %dma_start3A_113 = tpu.memref_slice %arg2[%dma_start3A_111, %dma_start3A_112] : memref<10000x128xf32, #tpu.memory_space<hbm>> -> memref<10000x128xf32, #tpu.memory_space<hbm>>
      tpu.enqueue_indirect_dma source(%dma_start3A_113 : memref<10000x128xf32, #tpu.memory_space<hbm>>) target(%arg10 : memref<128x128xf32, #tpu.memory_space<vmem>>) offsets(%dma_start3A_110 : memref<128xi32, #tpu.memory_space<vmem>>) semaphore(%arg13 : memref<!tpu.dma_semaphore, #tpu.memory_space<semaphore_mem>>)
      %dma_start3A_114 = arith.constant 1 : i32
      %dma_start3A_115 = arith.constant 0 : i32
      %dma_start3A_116 = tpu.memref_slice %arg8[%dma_start3A_114, %dma_start3A_115] : memref<40x128xi32, #tpu.memory_space<vmem>> -> memref<1x128xi32, #tpu.memory_space<vmem>>
      %dma_start3A_117 = tpu.memref_squeeze %dma_start3A_116 : memref<1x128xi32, #tpu.memory_space<vmem>> -> memref<128xi32, #tpu.memory_space<vmem>>
      %dma_start3A_118 = arith.constant 0 : i32
      %dma_start3A_119 = arith.constant 0 : i32
      %dma_start3A_120 = tpu.memref_slice %arg2[%dma_start3A_118, %dma_start3A_119] : memref<10000x128xf32, #tpu.memory_space<hbm>> -> memref<10000x128xf32, #tpu.memory_space<hbm>>
      tpu.enqueue_indirect_dma source(%dma_start3A_120 : memref<10000x128xf32, #tpu.memory_space<hbm>>) target(%arg11 : memref<128x128xf32, #tpu.memory_space<vmem>>) offsets(%dma_start3A_117 : memref<128xi32, #tpu.memory_space<vmem>>) semaphore(%arg14 : memref<!tpu.dma_semaphore, #tpu.memory_space<semaphore_mem>>)
      %scan3A_121 = arith.constant 0 : i32
      %scan3A_122 = arith.constant 0 : i32
      %scan3A_123 = arith.constant 19 : i32
      %scan3A_124 = arith.addi %scan3A_122, %scan3A_123 : i32
      %scan3A_125 = arith.constant 1 : i32
      %scan3A_126 = scf.for %scan3A_181 = %scan3A_122 to %scan3A_124 step %scan3A_125 iter_args(%scan3A_182 = %scan3A_121) -> (i32)  : i32 {
        %mul3A_183 = arith.constant 2 : i32
        %mul3A_184 = arith.muli %mul3A_183, %scan3A_181 : i32
        %add3A_185 = arith.constant 1 : i32
        %add3A_186 = arith.addi %mul3A_184, %add3A_185 : i32
        %dma_wait3A_187 = arith.constant 0 : i32
        %dma_wait3A_188 = tpu.memref_slice %arg8[%mul3A_184, %dma_wait3A_187] : memref<40x128xi32, #tpu.memory_space<vmem>> -> memref<1x128xi32, #tpu.memory_space<vmem>>
        %dma_wait3A_189 = tpu.memref_squeeze %dma_wait3A_188 : memref<1x128xi32, #tpu.memory_space<vmem>> -> memref<128xi32, #tpu.memory_space<vmem>>
        %dma_wait3A_190 = arith.constant 0 : i32
        %dma_wait3A_191 = arith.constant 0 : i32
        %dma_wait3A_192 = tpu.memref_slice %arg2[%dma_wait3A_190, %dma_wait3A_191] : memref<10000x128xf32, #tpu.memory_space<hbm>> -> memref<10000x128xf32, #tpu.memory_space<hbm>>
        tpu.wait_indirect_dma semaphore(%arg13 : memref<!tpu.dma_semaphore, #tpu.memory_space<semaphore_mem>>) src(%dma_wait3A_192 : memref<10000x128xf32, #tpu.memory_space<hbm>>) dst(%arg10 : memref<128x128xf32, #tpu.memory_space<vmem>>)
        "tpu.region"() ({
          %run_scoped3A_216 = tpu.sem_alloc : memref<!tpu.dma_semaphore, #tpu.memory_space<semaphore_mem>>
          %dma_start3A_217 = arith.constant 0 : i32
          %dma_start3A_218 = tpu.memref_slice %arg9[%mul3A_184, %dma_start3A_217] : memref<40x128xi32, #tpu.memory_space<vmem>> -> memref<1x128xi32, #tpu.memory_space<vmem>>
          %dma_start3A_219 = tpu.memref_squeeze %dma_start3A_218 : memref<1x128xi32, #tpu.memory_space<vmem>> -> memref<128xi32, #tpu.memory_space<vmem>>
          %dma_start3A_220 = arith.constant 0 : i32
          %dma_start3A_221 = arith.constant 0 : i32
          %dma_start3A_222 = tpu.memref_slice %arg12[%dma_start3A_220, %dma_start3A_221] : memref<10112x128xf32, #tpu.memory_space<vmem_shared>> -> memref<10112x128xf32, #tpu.memory_space<vmem_shared>>
          tpu.enqueue_indirect_dma source(%arg10 : memref<128x128xf32, #tpu.memory_space<vmem>>) target(%dma_start3A_222 : memref<10112x128xf32, #tpu.memory_space<vmem_shared>>) offsets(%dma_start3A_219 : memref<128xi32, #tpu.memory_space<vmem>>) semaphore(%run_scoped3A_216 : memref<!tpu.dma_semaphore, #tpu.memory_space<semaphore_mem>>) {add = true}
          %dma_wait3A_223 = arith.constant 0 : i32
          %dma_wait3A_224 = tpu.memref_slice %arg9[%mul3A_184, %dma_wait3A_223] : memref<40x128xi32, #tpu.memory_space<vmem>> -> memref<1x128xi32, #tpu.memory_space<vmem>>
          %dma_wait3A_225 = tpu.memref_squeeze %dma_wait3A_224 : memref<1x128xi32, #tpu.memory_space<vmem>> -> memref<128xi32, #tpu.memory_space<vmem>>
          %dma_wait3A_226 = arith.constant 0 : i32
          %dma_wait3A_227 = arith.constant 0 : i32
          %dma_wait3A_228 = tpu.memref_slice %arg12[%dma_wait3A_226, %dma_wait3A_227] : memref<10112x128xf32, #tpu.memory_space<vmem_shared>> -> memref<10112x128xf32, #tpu.memory_space<vmem_shared>>
          tpu.wait_indirect_dma semaphore(%run_scoped3A_216 : memref<!tpu.dma_semaphore, #tpu.memory_space<semaphore_mem>>) src(%arg10 : memref<128x128xf32, #tpu.memory_space<vmem>>) dst(%dma_wait3A_228 : memref<10112x128xf32, #tpu.memory_space<vmem_shared>>)
          tpu.yield
        }) : () -> ()
        %add3A_193 = arith.constant 2 : i32
        %add3A_194 = arith.addi %mul3A_184, %add3A_193 : i32
        %dma_start3A_195 = arith.constant 0 : i32
        %dma_start3A_196 = tpu.memref_slice %arg8[%add3A_194, %dma_start3A_195] : memref<40x128xi32, #tpu.memory_space<vmem>> -> memref<1x128xi32, #tpu.memory_space<vmem>>
        %dma_start3A_197 = tpu.memref_squeeze %dma_start3A_196 : memref<1x128xi32, #tpu.memory_space<vmem>> -> memref<128xi32, #tpu.memory_space<vmem>>
        %dma_start3A_198 = arith.constant 0 : i32
        %dma_start3A_199 = arith.constant 0 : i32
        %dma_start3A_200 = tpu.memref_slice %arg2[%dma_start3A_198, %dma_start3A_199] : memref<10000x128xf32, #tpu.memory_space<hbm>> -> memref<10000x128xf32, #tpu.memory_space<hbm>>
        tpu.enqueue_indirect_dma source(%dma_start3A_200 : memref<10000x128xf32, #tpu.memory_space<hbm>>) target(%arg10 : memref<128x128xf32, #tpu.memory_space<vmem>>) offsets(%dma_start3A_197 : memref<128xi32, #tpu.memory_space<vmem>>) semaphore(%arg13 : memref<!tpu.dma_semaphore, #tpu.memory_space<semaphore_mem>>)
        %dma_wait3A_201 = arith.constant 0 : i32
        %dma_wait3A_202 = tpu.memref_slice %arg8[%add3A_186, %dma_wait3A_201] : memref<40x128xi32, #tpu.memory_space<vmem>> -> memref<1x128xi32, #tpu.memory_space<vmem>>
        %dma_wait3A_203 = tpu.memref_squeeze %dma_wait3A_202 : memref<1x128xi32, #tpu.memory_space<vmem>> -> memref<128xi32, #tpu.memory_space<vmem>>
        %dma_wait3A_204 = arith.constant 0 : i32
        %dma_wait3A_205 = arith.constant 0 : i32
        %dma_wait3A_206 = tpu.memref_slice %arg2[%dma_wait3A_204, %dma_wait3A_205] : memref<10000x128xf32, #tpu.memory_space<hbm>> -> memref<10000x128xf32, #tpu.memory_space<hbm>>
        tpu.wait_indirect_dma semaphore(%arg14 : memref<!tpu.dma_semaphore, #tpu.memory_space<semaphore_mem>>) src(%dma_wait3A_206 : memref<10000x128xf32, #tpu.memory_space<hbm>>) dst(%arg11 : memref<128x128xf32, #tpu.memory_space<vmem>>)
        "tpu.region"() ({
          %run_scoped3A_216 = tpu.sem_alloc : memref<!tpu.dma_semaphore, #tpu.memory_space<semaphore_mem>>
          %dma_start3A_217 = arith.constant 0 : i32
          %dma_start3A_218 = tpu.memref_slice %arg9[%add3A_186, %dma_start3A_217] : memref<40x128xi32, #tpu.memory_space<vmem>> -> memref<1x128xi32, #tpu.memory_space<vmem>>
          %dma_start3A_219 = tpu.memref_squeeze %dma_start3A_218 : memref<1x128xi32, #tpu.memory_space<vmem>> -> memref<128xi32, #tpu.memory_space<vmem>>
          %dma_start3A_220 = arith.constant 0 : i32
          %dma_start3A_221 = arith.constant 0 : i32
          %dma_start3A_222 = tpu.memref_slice %arg12[%dma_start3A_220, %dma_start3A_221] : memref<10112x128xf32, #tpu.memory_space<vmem_shared>> -> memref<10112x128xf32, #tpu.memory_space<vmem_shared>>
          tpu.enqueue_indirect_dma source(%arg11 : memref<128x128xf32, #tpu.memory_space<vmem>>) target(%dma_start3A_222 : memref<10112x128xf32, #tpu.memory_space<vmem_shared>>) offsets(%dma_start3A_219 : memref<128xi32, #tpu.memory_space<vmem>>) semaphore(%run_scoped3A_216 : memref<!tpu.dma_semaphore, #tpu.memory_space<semaphore_mem>>) {add = true}
          %dma_wait3A_223 = arith.constant 0 : i32
          %dma_wait3A_224 = tpu.memref_slice %arg9[%add3A_186, %dma_wait3A_223] : memref<40x128xi32, #tpu.memory_space<vmem>> -> memref<1x128xi32, #tpu.memory_space<vmem>>
          %dma_wait3A_225 = tpu.memref_squeeze %dma_wait3A_224 : memref<1x128xi32, #tpu.memory_space<vmem>> -> memref<128xi32, #tpu.memory_space<vmem>>
          %dma_wait3A_226 = arith.constant 0 : i32
          %dma_wait3A_227 = arith.constant 0 : i32
          %dma_wait3A_228 = tpu.memref_slice %arg12[%dma_wait3A_226, %dma_wait3A_227] : memref<10112x128xf32, #tpu.memory_space<vmem_shared>> -> memref<10112x128xf32, #tpu.memory_space<vmem_shared>>
          tpu.wait_indirect_dma semaphore(%run_scoped3A_216 : memref<!tpu.dma_semaphore, #tpu.memory_space<semaphore_mem>>) src(%arg11 : memref<128x128xf32, #tpu.memory_space<vmem>>) dst(%dma_wait3A_228 : memref<10112x128xf32, #tpu.memory_space<vmem_shared>>)
          tpu.yield
        }) : () -> ()
        %add3A_207 = arith.constant 2 : i32
        %add3A_208 = arith.addi %add3A_186, %add3A_207 : i32
        %dma_start3A_209 = arith.constant 0 : i32
        %dma_start3A_210 = tpu.memref_slice %arg8[%add3A_208, %dma_start3A_209] : memref<40x128xi32, #tpu.memory_space<vmem>> -> memref<1x128xi32, #tpu.memory_space<vmem>>
        %dma_start3A_211 = tpu.memref_squeeze %dma_start3A_210 : memref<1x128xi32, #tpu.memory_space<vmem>> -> memref<128xi32, #tpu.memory_space<vmem>>
        %dma_start3A_212 = arith.constant 0 : i32
        %dma_start3A_213 = arith.constant 0 : i32
        %dma_start3A_214 = tpu.memref_slice %arg2[%dma_start3A_212, %dma_start3A_213] : memref<10000x128xf32, #tpu.memory_space<hbm>> -> memref<10000x128xf32, #tpu.memory_space<hbm>>
        tpu.enqueue_indirect_dma source(%dma_start3A_214 : memref<10000x128xf32, #tpu.memory_space<hbm>>) target(%arg11 : memref<128x128xf32, #tpu.memory_space<vmem>>) offsets(%dma_start3A_211 : memref<128xi32, #tpu.memory_space<vmem>>) semaphore(%arg14 : memref<!tpu.dma_semaphore, #tpu.memory_space<semaphore_mem>>)
        %scan3A_215 = arith.constant 0 : i32
        scf.yield %scan3A_215 : i32
      }
      %scan3A_127 = arith.constant 19 : i32
      %dma_wait3A_128 = arith.constant 38 : i32
      %dma_wait3A_129 = arith.constant 0 : i32
      %dma_wait3A_130 = tpu.memref_slice %arg8[%dma_wait3A_128, %dma_wait3A_129] : memref<40x128xi32, #tpu.memory_space<vmem>> -> memref<1x128xi32, #tpu.memory_space<vmem>>
      %dma_wait3A_131 = tpu.memref_squeeze %dma_wait3A_130 : memref<1x128xi32, #tpu.memory_space<vmem>> -> memref<128xi32, #tpu.memory_space<vmem>>
      %dma_wait3A_132 = arith.constant 0 : i32
      %dma_wait3A_133 = arith.constant 0 : i32
      %dma_wait3A_134 = tpu.memref_slice %arg2[%dma_wait3A_132, %dma_wait3A_133] : memref<10000x128xf32, #tpu.memory_space<hbm>> -> memref<10000x128xf32, #tpu.memory_space<hbm>>
      tpu.wait_indirect_dma semaphore(%arg13 : memref<!tpu.dma_semaphore, #tpu.memory_space<semaphore_mem>>) src(%dma_wait3A_134 : memref<10000x128xf32, #tpu.memory_space<hbm>>) dst(%arg10 : memref<128x128xf32, #tpu.memory_space<vmem>>)
      %run_scoped3A_135 = arith.constant 38 : i32
      "tpu.region"() ({
        %run_scoped3A_181 = tpu.sem_alloc : memref<!tpu.dma_semaphore, #tpu.memory_space<semaphore_mem>>
        %dma_start3A_182 = arith.constant 0 : i32
        %dma_start3A_183 = tpu.memref_slice %arg9[%run_scoped3A_135, %dma_start3A_182] : memref<40x128xi32, #tpu.memory_space<vmem>> -> memref<1x128xi32, #tpu.memory_space<vmem>>
        %dma_start3A_184 = tpu.memref_squeeze %dma_start3A_183 : memref<1x128xi32, #tpu.memory_space<vmem>> -> memref<128xi32, #tpu.memory_space<vmem>>
        %dma_start3A_185 = arith.constant 0 : i32
        %dma_start3A_186 = arith.constant 0 : i32
        %dma_start3A_187 = tpu.memref_slice %arg12[%dma_start3A_185, %dma_start3A_186] : memref<10112x128xf32, #tpu.memory_space<vmem_shared>> -> memref<10112x128xf32, #tpu.memory_space<vmem_shared>>
        tpu.enqueue_indirect_dma source(%arg10 : memref<128x128xf32, #tpu.memory_space<vmem>>) target(%dma_start3A_187 : memref<10112x128xf32, #tpu.memory_space<vmem_shared>>) offsets(%dma_start3A_184 : memref<128xi32, #tpu.memory_space<vmem>>) semaphore(%run_scoped3A_181 : memref<!tpu.dma_semaphore, #tpu.memory_space<semaphore_mem>>) {add = true}
        %dma_wait3A_188 = arith.constant 0 : i32
        %dma_wait3A_189 = tpu.memref_slice %arg9[%run_scoped3A_135, %dma_wait3A_188] : memref<40x128xi32, #tpu.memory_space<vmem>> -> memref<1x128xi32, #tpu.memory_space<vmem>>
        %dma_wait3A_190 = tpu.memref_squeeze %dma_wait3A_189 : memref<1x128xi32, #tpu.memory_space<vmem>> -> memref<128xi32, #tpu.memory_space<vmem>>
        %dma_wait3A_191 = arith.constant 0 : i32
        %dma_wait3A_192 = arith.constant 0 : i32
        %dma_wait3A_193 = tpu.memref_slice %arg12[%dma_wait3A_191, %dma_wait3A_192] : memref<10112x128xf32, #tpu.memory_space<vmem_shared>> -> memref<10112x128xf32, #tpu.memory_space<vmem_shared>>
        tpu.wait_indirect_dma semaphore(%run_scoped3A_181 : memref<!tpu.dma_semaphore, #tpu.memory_space<semaphore_mem>>) src(%arg10 : memref<128x128xf32, #tpu.memory_space<vmem>>) dst(%dma_wait3A_193 : memref<10112x128xf32, #tpu.memory_space<vmem_shared>>)
        tpu.yield
      }) : () -> ()
      %dma_wait3A_136 = arith.constant 39 : i32
      %dma_wait3A_137 = arith.constant 0 : i32
      %dma_wait3A_138 = tpu.memref_slice %arg8[%dma_wait3A_136, %dma_wait3A_137] : memref<40x128xi32, #tpu.memory_space<vmem>> -> memref<1x128xi32, #tpu.memory_space<vmem>>
      %dma_wait3A_139 = tpu.memref_squeeze %dma_wait3A_138 : memref<1x128xi32, #tpu.memory_space<vmem>> -> memref<128xi32, #tpu.memory_space<vmem>>
      %dma_wait3A_140 = arith.constant 0 : i32
      %dma_wait3A_141 = arith.constant 0 : i32
      %dma_wait3A_142 = tpu.memref_slice %arg2[%dma_wait3A_140, %dma_wait3A_141] : memref<10000x128xf32, #tpu.memory_space<hbm>> -> memref<10000x128xf32, #tpu.memory_space<hbm>>
      tpu.wait_indirect_dma semaphore(%arg14 : memref<!tpu.dma_semaphore, #tpu.memory_space<semaphore_mem>>) src(%dma_wait3A_142 : memref<10000x128xf32, #tpu.memory_space<hbm>>) dst(%arg11 : memref<128x128xf32, #tpu.memory_space<vmem>>)
      %run_scoped3A_143 = arith.constant 39 : i32
      "tpu.region"() ({
        %run_scoped3A_181 = tpu.sem_alloc : memref<!tpu.dma_semaphore, #tpu.memory_space<semaphore_mem>>
        %dma_start3A_182 = arith.constant 0 : i32
        %dma_start3A_183 = tpu.memref_slice %arg9[%run_scoped3A_143, %dma_start3A_182] : memref<40x128xi32, #tpu.memory_space<vmem>> -> memref<1x128xi32, #tpu.memory_space<vmem>>
        %dma_start3A_184 = tpu.memref_squeeze %dma_start3A_183 : memref<1x128xi32, #tpu.memory_space<vmem>> -> memref<128xi32, #tpu.memory_space<vmem>>
        %dma_start3A_185 = arith.constant 0 : i32
        %dma_start3A_186 = arith.constant 0 : i32
        %dma_start3A_187 = tpu.memref_slice %arg12[%dma_start3A_185, %dma_start3A_186] : memref<10112x128xf32, #tpu.memory_space<vmem_shared>> -> memref<10112x128xf32, #tpu.memory_space<vmem_shared>>
        tpu.enqueue_indirect_dma source(%arg11 : memref<128x128xf32, #tpu.memory_space<vmem>>) target(%dma_start3A_187 : memref<10112x128xf32, #tpu.memory_space<vmem_shared>>) offsets(%dma_start3A_184 : memref<128xi32, #tpu.memory_space<vmem>>) semaphore(%run_scoped3A_181 : memref<!tpu.dma_semaphore, #tpu.memory_space<semaphore_mem>>) {add = true}
        %dma_wait3A_188 = arith.constant 0 : i32
        %dma_wait3A_189 = tpu.memref_slice %arg9[%run_scoped3A_143, %dma_wait3A_188] : memref<40x128xi32, #tpu.memory_space<vmem>> -> memref<1x128xi32, #tpu.memory_space<vmem>>
        %dma_wait3A_190 = tpu.memref_squeeze %dma_wait3A_189 : memref<1x128xi32, #tpu.memory_space<vmem>> -> memref<128xi32, #tpu.memory_space<vmem>>
        %dma_wait3A_191 = arith.constant 0 : i32
        %dma_wait3A_192 = arith.constant 0 : i32
        %dma_wait3A_193 = tpu.memref_slice %arg12[%dma_wait3A_191, %dma_wait3A_192] : memref<10112x128xf32, #tpu.memory_space<vmem_shared>> -> memref<10112x128xf32, #tpu.memory_space<vmem_shared>>
        tpu.wait_indirect_dma semaphore(%run_scoped3A_181 : memref<!tpu.dma_semaphore, #tpu.memory_space<semaphore_mem>>) src(%arg11 : memref<128x128xf32, #tpu.memory_space<vmem>>) dst(%dma_wait3A_193 : memref<10112x128xf32, #tpu.memory_space<vmem_shared>>)
        tpu.yield
      }) : () -> ()
      "tpu.region"() ({
        %run_scoped3A_181 = tpu.sem_alloc : memref<!tpu.dma_semaphore, #tpu.memory_space<semaphore_mem>>
        %dma_start3A_182 = arith.constant 0 : i32
        %dma_start3A_183 = arith.constant 0 : i32
        %dma_start3A_184 = tpu.memref_slice %arg8[%dma_start3A_182, %dma_start3A_183] : memref<40x128xi32, #tpu.memory_space<vmem>> -> memref<26x128xi32, #tpu.memory_space<vmem>>
        %dma_start3A_185 = arith.constant 120 : i32
        %dma_start3A_186 = arith.constant 0 : i32
        %dma_start3A_187 = tpu.memref_slice %arg3[%arg1, %dma_start3A_185, %dma_start3A_186] : memref<16x146x128xi32, #tpu.memory_space<hbm>> -> memref<1x26x128xi32, #tpu.memory_space<hbm>>
        %dma_start3A_188 = tpu.memref_squeeze %dma_start3A_187 : memref<1x26x128xi32, #tpu.memory_space<hbm>> -> memref<26x128xi32, #tpu.memory_space<hbm>>
        %dma_start3A_189 = arith.constant 0 : i32
        %dma_start3A_190 = arith.constant 0 : i32
        %dma_start3A_191 = tpu.memref_slice %arg8[%dma_start3A_189, %dma_start3A_190] : memref<40x128xi32, #tpu.memory_space<vmem>> -> memref<26x128xi32, #tpu.memory_space<vmem>>
        %dma_start3A_192 = arith.constant 120 : i32
        %dma_start3A_193 = arith.constant 0 : i32
        %dma_start3A_194 = tpu.memref_slice %arg3[%arg1, %dma_start3A_192, %dma_start3A_193] : memref<16x146x128xi32, #tpu.memory_space<hbm>> -> memref<1x26x128xi32, #tpu.memory_space<hbm>>
        %dma_start3A_195 = tpu.memref_squeeze %dma_start3A_194 : memref<1x26x128xi32, #tpu.memory_space<hbm>> -> memref<26x128xi32, #tpu.memory_space<hbm>>
        tpu.enqueue_dma source(%dma_start3A_195 : memref<26x128xi32, #tpu.memory_space<hbm>>) target(%dma_start3A_191 : memref<26x128xi32, #tpu.memory_space<vmem>>) target_semaphore(%run_scoped3A_181 : memref<!tpu.dma_semaphore, #tpu.memory_space<semaphore_mem>>)
        %dma_wait3A_196 = arith.constant 0 : i32
        %dma_wait3A_197 = arith.constant 0 : i32
        %dma_wait3A_198 = tpu.memref_slice %arg8[%dma_wait3A_196, %dma_wait3A_197] : memref<40x128xi32, #tpu.memory_space<vmem>> -> memref<26x128xi32, #tpu.memory_space<vmem>>
        %dma_wait3A_199 = arith.constant 120 : i32
        %dma_wait3A_200 = arith.constant 0 : i32
        %dma_wait3A_201 = tpu.memref_slice %arg3[%arg1, %dma_wait3A_199, %dma_wait3A_200] : memref<16x146x128xi32, #tpu.memory_space<hbm>> -> memref<1x26x128xi32, #tpu.memory_space<hbm>>
        %dma_wait3A_202 = tpu.memref_squeeze %dma_wait3A_201 : memref<1x26x128xi32, #tpu.memory_space<hbm>> -> memref<26x128xi32, #tpu.memory_space<hbm>>
        %dma_wait3A_203 = arith.constant 0 : i32
        %dma_wait3A_204 = arith.constant 0 : i32
        %dma_wait3A_205 = tpu.memref_slice %arg8[%dma_wait3A_203, %dma_wait3A_204] : memref<40x128xi32, #tpu.memory_space<vmem>> -> memref<26x128xi32, #tpu.memory_space<vmem>>
        %dma_wait3A_206 = arith.constant 120 : i32
        %dma_wait3A_207 = arith.constant 0 : i32
        %dma_wait3A_208 = tpu.memref_slice %arg3[%arg1, %dma_wait3A_206, %dma_wait3A_207] : memref<16x146x128xi32, #tpu.memory_space<hbm>> -> memref<1x26x128xi32, #tpu.memory_space<hbm>>
        %dma_wait3A_209 = tpu.memref_squeeze %dma_wait3A_208 : memref<1x26x128xi32, #tpu.memory_space<hbm>> -> memref<26x128xi32, #tpu.memory_space<hbm>>
        tpu.wait_dma2 semaphore(%run_scoped3A_181 : memref<!tpu.dma_semaphore, #tpu.memory_space<semaphore_mem>>) src(%dma_wait3A_209 : memref<26x128xi32, #tpu.memory_space<hbm>>) dst(%dma_wait3A_205 : memref<26x128xi32, #tpu.memory_space<vmem>>)
        tpu.yield
      }) : () -> ()
      "tpu.region"() ({
        %run_scoped3A_181 = tpu.sem_alloc : memref<!tpu.dma_semaphore, #tpu.memory_space<semaphore_mem>>
        %dma_start3A_182 = arith.constant 0 : i32
        %dma_start3A_183 = arith.constant 0 : i32
        %dma_start3A_184 = tpu.memref_slice %arg9[%dma_start3A_182, %dma_start3A_183] : memref<40x128xi32, #tpu.memory_space<vmem>> -> memref<26x128xi32, #tpu.memory_space<vmem>>
        %dma_start3A_185 = arith.constant 120 : i32
        %dma_start3A_186 = arith.constant 0 : i32
        %dma_start3A_187 = tpu.memref_slice %arg4[%arg1, %dma_start3A_185, %dma_start3A_186] : memref<16x146x128xi32, #tpu.memory_space<hbm>> -> memref<1x26x128xi32, #tpu.memory_space<hbm>>
        %dma_start3A_188 = tpu.memref_squeeze %dma_start3A_187 : memref<1x26x128xi32, #tpu.memory_space<hbm>> -> memref<26x128xi32, #tpu.memory_space<hbm>>
        %dma_start3A_189 = arith.constant 0 : i32
        %dma_start3A_190 = arith.constant 0 : i32
        %dma_start3A_191 = tpu.memref_slice %arg9[%dma_start3A_189, %dma_start3A_190] : memref<40x128xi32, #tpu.memory_space<vmem>> -> memref<26x128xi32, #tpu.memory_space<vmem>>
        %dma_start3A_192 = arith.constant 120 : i32
        %dma_start3A_193 = arith.constant 0 : i32
        %dma_start3A_194 = tpu.memref_slice %arg4[%arg1, %dma_start3A_192, %dma_start3A_193] : memref<16x146x128xi32, #tpu.memory_space<hbm>> -> memref<1x26x128xi32, #tpu.memory_space<hbm>>
        %dma_start3A_195 = tpu.memref_squeeze %dma_start3A_194 : memref<1x26x128xi32, #tpu.memory_space<hbm>> -> memref<26x128xi32, #tpu.memory_space<hbm>>
        tpu.enqueue_dma source(%dma_start3A_195 : memref<26x128xi32, #tpu.memory_space<hbm>>) target(%dma_start3A_191 : memref<26x128xi32, #tpu.memory_space<vmem>>) target_semaphore(%run_scoped3A_181 : memref<!tpu.dma_semaphore, #tpu.memory_space<semaphore_mem>>)
        %dma_wait3A_196 = arith.constant 0 : i32
        %dma_wait3A_197 = arith.constant 0 : i32
        %dma_wait3A_198 = tpu.memref_slice %arg9[%dma_wait3A_196, %dma_wait3A_197] : memref<40x128xi32, #tpu.memory_space<vmem>> -> memref<26x128xi32, #tpu.memory_space<vmem>>
        %dma_wait3A_199 = arith.constant 120 : i32
        %dma_wait3A_200 = arith.constant 0 : i32
        %dma_wait3A_201 = tpu.memref_slice %arg4[%arg1, %dma_wait3A_199, %dma_wait3A_200] : memref<16x146x128xi32, #tpu.memory_space<hbm>> -> memref<1x26x128xi32, #tpu.memory_space<hbm>>
        %dma_wait3A_202 = tpu.memref_squeeze %dma_wait3A_201 : memref<1x26x128xi32, #tpu.memory_space<hbm>> -> memref<26x128xi32, #tpu.memory_space<hbm>>
        %dma_wait3A_203 = arith.constant 0 : i32
        %dma_wait3A_204 = arith.constant 0 : i32
        %dma_wait3A_205 = tpu.memref_slice %arg9[%dma_wait3A_203, %dma_wait3A_204] : memref<40x128xi32, #tpu.memory_space<vmem>> -> memref<26x128xi32, #tpu.memory_space<vmem>>
        %dma_wait3A_206 = arith.constant 120 : i32
        %dma_wait3A_207 = arith.constant 0 : i32
        %dma_wait3A_208 = tpu.memref_slice %arg4[%arg1, %dma_wait3A_206, %dma_wait3A_207] : memref<16x146x128xi32, #tpu.memory_space<hbm>> -> memref<1x26x128xi32, #tpu.memory_space<hbm>>
        %dma_wait3A_209 = tpu.memref_squeeze %dma_wait3A_208 : memref<1x26x128xi32, #tpu.memory_space<hbm>> -> memref<26x128xi32, #tpu.memory_space<hbm>>
        tpu.wait_dma2 semaphore(%run_scoped3A_181 : memref<!tpu.dma_semaphore, #tpu.memory_space<semaphore_mem>>) src(%dma_wait3A_209 : memref<26x128xi32, #tpu.memory_space<hbm>>) dst(%dma_wait3A_205 : memref<26x128xi32, #tpu.memory_space<vmem>>)
        tpu.yield
      }) : () -> ()
      %dma_start3A_144 = arith.constant 0 : i32
      %dma_start3A_145 = arith.constant 0 : i32
      %dma_start3A_146 = tpu.memref_slice %arg8[%dma_start3A_144, %dma_start3A_145] : memref<40x128xi32, #tpu.memory_space<vmem>> -> memref<1x128xi32, #tpu.memory_space<vmem>>
      %dma_start3A_147 = tpu.memref_squeeze %dma_start3A_146 : memref<1x128xi32, #tpu.memory_space<vmem>> -> memref<128xi32, #tpu.memory_space<vmem>>
      %dma_start3A_148 = arith.constant 0 : i32
      %dma_start3A_149 = arith.constant 0 : i32
      %dma_start3A_150 = tpu.memref_slice %arg2[%dma_start3A_148, %dma_start3A_149] : memref<10000x128xf32, #tpu.memory_space<hbm>> -> memref<10000x128xf32, #tpu.memory_space<hbm>>
      tpu.enqueue_indirect_dma source(%dma_start3A_150 : memref<10000x128xf32, #tpu.memory_space<hbm>>) target(%arg10 : memref<128x128xf32, #tpu.memory_space<vmem>>) offsets(%dma_start3A_147 : memref<128xi32, #tpu.memory_space<vmem>>) semaphore(%arg13 : memref<!tpu.dma_semaphore, #tpu.memory_space<semaphore_mem>>)
      %dma_start3A_151 = arith.constant 1 : i32
      %dma_start3A_152 = arith.constant 0 : i32
      %dma_start3A_153 = tpu.memref_slice %arg8[%dma_start3A_151, %dma_start3A_152] : memref<40x128xi32, #tpu.memory_space<vmem>> -> memref<1x128xi32, #tpu.memory_space<vmem>>
      %dma_start3A_154 = tpu.memref_squeeze %dma_start3A_153 : memref<1x128xi32, #tpu.memory_space<vmem>> -> memref<128xi32, #tpu.memory_space<vmem>>
      %dma_start3A_155 = arith.constant 0 : i32
      %dma_start3A_156 = arith.constant 0 : i32
      %dma_start3A_157 = tpu.memref_slice %arg2[%dma_start3A_155, %dma_start3A_156] : memref<10000x128xf32, #tpu.memory_space<hbm>> -> memref<10000x128xf32, #tpu.memory_space<hbm>>
      tpu.enqueue_indirect_dma source(%dma_start3A_157 : memref<10000x128xf32, #tpu.memory_space<hbm>>) target(%arg11 : memref<128x128xf32, #tpu.memory_space<vmem>>) offsets(%dma_start3A_154 : memref<128xi32, #tpu.memory_space<vmem>>) semaphore(%arg14 : memref<!tpu.dma_semaphore, #tpu.memory_space<semaphore_mem>>)
      %scan3A_158 = arith.constant 0 : i32
      %scan3A_159 = arith.constant 0 : i32
      %scan3A_160 = arith.constant 12 : i32
      %scan3A_161 = arith.addi %scan3A_159, %scan3A_160 : i32
      %scan3A_162 = arith.constant 1 : i32
      %scan3A_163 = scf.for %scan3A_181 = %scan3A_159 to %scan3A_161 step %scan3A_162 iter_args(%scan3A_182 = %scan3A_158) -> (i32)  : i32 {
        %mul3A_183 = arith.constant 2 : i32
        %mul3A_184 = arith.muli %mul3A_183, %scan3A_181 : i32
        %add3A_185 = arith.constant 1 : i32
        %add3A_186 = arith.addi %mul3A_184, %add3A_185 : i32
        %dma_wait3A_187 = arith.constant 0 : i32
        %dma_wait3A_188 = tpu.memref_slice %arg8[%mul3A_184, %dma_wait3A_187] : memref<40x128xi32, #tpu.memory_space<vmem>> -> memref<1x128xi32, #tpu.memory_space<vmem>>
        %dma_wait3A_189 = tpu.memref_squeeze %dma_wait3A_188 : memref<1x128xi32, #tpu.memory_space<vmem>> -> memref<128xi32, #tpu.memory_space<vmem>>
        %dma_wait3A_190 = arith.constant 0 : i32
        %dma_wait3A_191 = arith.constant 0 : i32
        %dma_wait3A_192 = tpu.memref_slice %arg2[%dma_wait3A_190, %dma_wait3A_191] : memref<10000x128xf32, #tpu.memory_space<hbm>> -> memref<10000x128xf32, #tpu.memory_space<hbm>>
        tpu.wait_indirect_dma semaphore(%arg13 : memref<!tpu.dma_semaphore, #tpu.memory_space<semaphore_mem>>) src(%dma_wait3A_192 : memref<10000x128xf32, #tpu.memory_space<hbm>>) dst(%arg10 : memref<128x128xf32, #tpu.memory_space<vmem>>)
        "tpu.region"() ({
          %run_scoped3A_216 = tpu.sem_alloc : memref<!tpu.dma_semaphore, #tpu.memory_space<semaphore_mem>>
          %dma_start3A_217 = arith.constant 0 : i32
          %dma_start3A_218 = tpu.memref_slice %arg9[%mul3A_184, %dma_start3A_217] : memref<40x128xi32, #tpu.memory_space<vmem>> -> memref<1x128xi32, #tpu.memory_space<vmem>>
          %dma_start3A_219 = tpu.memref_squeeze %dma_start3A_218 : memref<1x128xi32, #tpu.memory_space<vmem>> -> memref<128xi32, #tpu.memory_space<vmem>>
          %dma_start3A_220 = arith.constant 0 : i32
          %dma_start3A_221 = arith.constant 0 : i32
          %dma_start3A_222 = tpu.memref_slice %arg12[%dma_start3A_220, %dma_start3A_221] : memref<10112x128xf32, #tpu.memory_space<vmem_shared>> -> memref<10112x128xf32, #tpu.memory_space<vmem_shared>>
          tpu.enqueue_indirect_dma source(%arg10 : memref<128x128xf32, #tpu.memory_space<vmem>>) target(%dma_start3A_222 : memref<10112x128xf32, #tpu.memory_space<vmem_shared>>) offsets(%dma_start3A_219 : memref<128xi32, #tpu.memory_space<vmem>>) semaphore(%run_scoped3A_216 : memref<!tpu.dma_semaphore, #tpu.memory_space<semaphore_mem>>) {add = true}
          %dma_wait3A_223 = arith.constant 0 : i32
          %dma_wait3A_224 = tpu.memref_slice %arg9[%mul3A_184, %dma_wait3A_223] : memref<40x128xi32, #tpu.memory_space<vmem>> -> memref<1x128xi32, #tpu.memory_space<vmem>>
          %dma_wait3A_225 = tpu.memref_squeeze %dma_wait3A_224 : memref<1x128xi32, #tpu.memory_space<vmem>> -> memref<128xi32, #tpu.memory_space<vmem>>
          %dma_wait3A_226 = arith.constant 0 : i32
          %dma_wait3A_227 = arith.constant 0 : i32
          %dma_wait3A_228 = tpu.memref_slice %arg12[%dma_wait3A_226, %dma_wait3A_227] : memref<10112x128xf32, #tpu.memory_space<vmem_shared>> -> memref<10112x128xf32, #tpu.memory_space<vmem_shared>>
          tpu.wait_indirect_dma semaphore(%run_scoped3A_216 : memref<!tpu.dma_semaphore, #tpu.memory_space<semaphore_mem>>) src(%arg10 : memref<128x128xf32, #tpu.memory_space<vmem>>) dst(%dma_wait3A_228 : memref<10112x128xf32, #tpu.memory_space<vmem_shared>>)
          tpu.yield
        }) : () -> ()
        %add3A_193 = arith.constant 2 : i32
        %add3A_194 = arith.addi %mul3A_184, %add3A_193 : i32
        %dma_start3A_195 = arith.constant 0 : i32
        %dma_start3A_196 = tpu.memref_slice %arg8[%add3A_194, %dma_start3A_195] : memref<40x128xi32, #tpu.memory_space<vmem>> -> memref<1x128xi32, #tpu.memory_space<vmem>>
        %dma_start3A_197 = tpu.memref_squeeze %dma_start3A_196 : memref<1x128xi32, #tpu.memory_space<vmem>> -> memref<128xi32, #tpu.memory_space<vmem>>
        %dma_start3A_198 = arith.constant 0 : i32
        %dma_start3A_199 = arith.constant 0 : i32
        %dma_start3A_200 = tpu.memref_slice %arg2[%dma_start3A_198, %dma_start3A_199] : memref<10000x128xf32, #tpu.memory_space<hbm>> -> memref<10000x128xf32, #tpu.memory_space<hbm>>
        tpu.enqueue_indirect_dma source(%dma_start3A_200 : memref<10000x128xf32, #tpu.memory_space<hbm>>) target(%arg10 : memref<128x128xf32, #tpu.memory_space<vmem>>) offsets(%dma_start3A_197 : memref<128xi32, #tpu.memory_space<vmem>>) semaphore(%arg13 : memref<!tpu.dma_semaphore, #tpu.memory_space<semaphore_mem>>)
        %dma_wait3A_201 = arith.constant 0 : i32
        %dma_wait3A_202 = tpu.memref_slice %arg8[%add3A_186, %dma_wait3A_201] : memref<40x128xi32, #tpu.memory_space<vmem>> -> memref<1x128xi32, #tpu.memory_space<vmem>>
        %dma_wait3A_203 = tpu.memref_squeeze %dma_wait3A_202 : memref<1x128xi32, #tpu.memory_space<vmem>> -> memref<128xi32, #tpu.memory_space<vmem>>
        %dma_wait3A_204 = arith.constant 0 : i32
        %dma_wait3A_205 = arith.constant 0 : i32
        %dma_wait3A_206 = tpu.memref_slice %arg2[%dma_wait3A_204, %dma_wait3A_205] : memref<10000x128xf32, #tpu.memory_space<hbm>> -> memref<10000x128xf32, #tpu.memory_space<hbm>>
        tpu.wait_indirect_dma semaphore(%arg14 : memref<!tpu.dma_semaphore, #tpu.memory_space<semaphore_mem>>) src(%dma_wait3A_206 : memref<10000x128xf32, #tpu.memory_space<hbm>>) dst(%arg11 : memref<128x128xf32, #tpu.memory_space<vmem>>)
        "tpu.region"() ({
          %run_scoped3A_216 = tpu.sem_alloc : memref<!tpu.dma_semaphore, #tpu.memory_space<semaphore_mem>>
          %dma_start3A_217 = arith.constant 0 : i32
          %dma_start3A_218 = tpu.memref_slice %arg9[%add3A_186, %dma_start3A_217] : memref<40x128xi32, #tpu.memory_space<vmem>> -> memref<1x128xi32, #tpu.memory_space<vmem>>
          %dma_start3A_219 = tpu.memref_squeeze %dma_start3A_218 : memref<1x128xi32, #tpu.memory_space<vmem>> -> memref<128xi32, #tpu.memory_space<vmem>>
          %dma_start3A_220 = arith.constant 0 : i32
          %dma_start3A_221 = arith.constant 0 : i32
          %dma_start3A_222 = tpu.memref_slice %arg12[%dma_start3A_220, %dma_start3A_221] : memref<10112x128xf32, #tpu.memory_space<vmem_shared>> -> memref<10112x128xf32, #tpu.memory_space<vmem_shared>>
          tpu.enqueue_indirect_dma source(%arg11 : memref<128x128xf32, #tpu.memory_space<vmem>>) target(%dma_start3A_222 : memref<10112x128xf32, #tpu.memory_space<vmem_shared>>) offsets(%dma_start3A_219 : memref<128xi32, #tpu.memory_space<vmem>>) semaphore(%run_scoped3A_216 : memref<!tpu.dma_semaphore, #tpu.memory_space<semaphore_mem>>) {add = true}
          %dma_wait3A_223 = arith.constant 0 : i32
          %dma_wait3A_224 = tpu.memref_slice %arg9[%add3A_186, %dma_wait3A_223] : memref<40x128xi32, #tpu.memory_space<vmem>> -> memref<1x128xi32, #tpu.memory_space<vmem>>
          %dma_wait3A_225 = tpu.memref_squeeze %dma_wait3A_224 : memref<1x128xi32, #tpu.memory_space<vmem>> -> memref<128xi32, #tpu.memory_space<vmem>>
          %dma_wait3A_226 = arith.constant 0 : i32
          %dma_wait3A_227 = arith.constant 0 : i32
          %dma_wait3A_228 = tpu.memref_slice %arg12[%dma_wait3A_226, %dma_wait3A_227] : memref<10112x128xf32, #tpu.memory_space<vmem_shared>> -> memref<10112x128xf32, #tpu.memory_space<vmem_shared>>
          tpu.wait_indirect_dma semaphore(%run_scoped3A_216 : memref<!tpu.dma_semaphore, #tpu.memory_space<semaphore_mem>>) src(%arg11 : memref<128x128xf32, #tpu.memory_space<vmem>>) dst(%dma_wait3A_228 : memref<10112x128xf32, #tpu.memory_space<vmem_shared>>)
          tpu.yield
        }) : () -> ()
        %add3A_207 = arith.constant 2 : i32
        %add3A_208 = arith.addi %add3A_186, %add3A_207 : i32
        %dma_start3A_209 = arith.constant 0 : i32
        %dma_start3A_210 = tpu.memref_slice %arg8[%add3A_208, %dma_start3A_209] : memref<40x128xi32, #tpu.memory_space<vmem>> -> memref<1x128xi32, #tpu.memory_space<vmem>>
        %dma_start3A_211 = tpu.memref_squeeze %dma_start3A_210 : memref<1x128xi32, #tpu.memory_space<vmem>> -> memref<128xi32, #tpu.memory_space<vmem>>
        %dma_start3A_212 = arith.constant 0 : i32
        %dma_start3A_213 = arith.constant 0 : i32
        %dma_start3A_214 = tpu.memref_slice %arg2[%dma_start3A_212, %dma_start3A_213] : memref<10000x128xf32, #tpu.memory_space<hbm>> -> memref<10000x128xf32, #tpu.memory_space<hbm>>
        tpu.enqueue_indirect_dma source(%dma_start3A_214 : memref<10000x128xf32, #tpu.memory_space<hbm>>) target(%arg11 : memref<128x128xf32, #tpu.memory_space<vmem>>) offsets(%dma_start3A_211 : memref<128xi32, #tpu.memory_space<vmem>>) semaphore(%arg14 : memref<!tpu.dma_semaphore, #tpu.memory_space<semaphore_mem>>)
        %scan3A_215 = arith.constant 0 : i32
        scf.yield %scan3A_215 : i32
      }
      %scan3A_164 = arith.constant 12 : i32
      %dma_wait3A_165 = arith.constant 24 : i32
      %dma_wait3A_166 = arith.constant 0 : i32
      %dma_wait3A_167 = tpu.memref_slice %arg8[%dma_wait3A_165, %dma_wait3A_166] : memref<40x128xi32, #tpu.memory_space<vmem>> -> memref<1x128xi32, #tpu.memory_space<vmem>>
      %dma_wait3A_168 = tpu.memref_squeeze %dma_wait3A_167 : memref<1x128xi32, #tpu.memory_space<vmem>> -> memref<128xi32, #tpu.memory_space<vmem>>
      %dma_wait3A_169 = arith.constant 0 : i32
      %dma_wait3A_170 = arith.constant 0 : i32
      %dma_wait3A_171 = tpu.memref_slice %arg2[%dma_wait3A_169, %dma_wait3A_170] : memref<10000x128xf32, #tpu.memory_space<hbm>> -> memref<10000x128xf32, #tpu.memory_space<hbm>>
      tpu.wait_indirect_dma semaphore(%arg13 : memref<!tpu.dma_semaphore, #tpu.memory_space<semaphore_mem>>) src(%dma_wait3A_171 : memref<10000x128xf32, #tpu.memory_space<hbm>>) dst(%arg10 : memref<128x128xf32, #tpu.memory_space<vmem>>)
      %run_scoped3A_172 = arith.constant 24 : i32
      "tpu.region"() ({
        %run_scoped3A_181 = tpu.sem_alloc : memref<!tpu.dma_semaphore, #tpu.memory_space<semaphore_mem>>
        %dma_start3A_182 = arith.constant 0 : i32
        %dma_start3A_183 = tpu.memref_slice %arg9[%run_scoped3A_172, %dma_start3A_182] : memref<40x128xi32, #tpu.memory_space<vmem>> -> memref<1x128xi32, #tpu.memory_space<vmem>>
        %dma_start3A_184 = tpu.memref_squeeze %dma_start3A_183 : memref<1x128xi32, #tpu.memory_space<vmem>> -> memref<128xi32, #tpu.memory_space<vmem>>
        %dma_start3A_185 = arith.constant 0 : i32
        %dma_start3A_186 = arith.constant 0 : i32
        %dma_start3A_187 = tpu.memref_slice %arg12[%dma_start3A_185, %dma_start3A_186] : memref<10112x128xf32, #tpu.memory_space<vmem_shared>> -> memref<10112x128xf32, #tpu.memory_space<vmem_shared>>
        tpu.enqueue_indirect_dma source(%arg10 : memref<128x128xf32, #tpu.memory_space<vmem>>) target(%dma_start3A_187 : memref<10112x128xf32, #tpu.memory_space<vmem_shared>>) offsets(%dma_start3A_184 : memref<128xi32, #tpu.memory_space<vmem>>) semaphore(%run_scoped3A_181 : memref<!tpu.dma_semaphore, #tpu.memory_space<semaphore_mem>>) {add = true}
        %dma_wait3A_188 = arith.constant 0 : i32
        %dma_wait3A_189 = tpu.memref_slice %arg9[%run_scoped3A_172, %dma_wait3A_188] : memref<40x128xi32, #tpu.memory_space<vmem>> -> memref<1x128xi32, #tpu.memory_space<vmem>>
        %dma_wait3A_190 = tpu.memref_squeeze %dma_wait3A_189 : memref<1x128xi32, #tpu.memory_space<vmem>> -> memref<128xi32, #tpu.memory_space<vmem>>
        %dma_wait3A_191 = arith.constant 0 : i32
        %dma_wait3A_192 = arith.constant 0 : i32
        %dma_wait3A_193 = tpu.memref_slice %arg12[%dma_wait3A_191, %dma_wait3A_192] : memref<10112x128xf32, #tpu.memory_space<vmem_shared>> -> memref<10112x128xf32, #tpu.memory_space<vmem_shared>>
        tpu.wait_indirect_dma semaphore(%run_scoped3A_181 : memref<!tpu.dma_semaphore, #tpu.memory_space<semaphore_mem>>) src(%arg10 : memref<128x128xf32, #tpu.memory_space<vmem>>) dst(%dma_wait3A_193 : memref<10112x128xf32, #tpu.memory_space<vmem_shared>>)
        tpu.yield
      }) : () -> ()
      %dma_wait3A_173 = arith.constant 25 : i32
      %dma_wait3A_174 = arith.constant 0 : i32
      %dma_wait3A_175 = tpu.memref_slice %arg8[%dma_wait3A_173, %dma_wait3A_174] : memref<40x128xi32, #tpu.memory_space<vmem>> -> memref<1x128xi32, #tpu.memory_space<vmem>>
      %dma_wait3A_176 = tpu.memref_squeeze %dma_wait3A_175 : memref<1x128xi32, #tpu.memory_space<vmem>> -> memref<128xi32, #tpu.memory_space<vmem>>
      %dma_wait3A_177 = arith.constant 0 : i32
      %dma_wait3A_178 = arith.constant 0 : i32
      %dma_wait3A_179 = tpu.memref_slice %arg2[%dma_wait3A_177, %dma_wait3A_178] : memref<10000x128xf32, #tpu.memory_space<hbm>> -> memref<10000x128xf32, #tpu.memory_space<hbm>>
      tpu.wait_indirect_dma semaphore(%arg14 : memref<!tpu.dma_semaphore, #tpu.memory_space<semaphore_mem>>) src(%dma_wait3A_179 : memref<10000x128xf32, #tpu.memory_space<hbm>>) dst(%arg11 : memref<128x128xf32, #tpu.memory_space<vmem>>)
      %run_scoped3A_180 = arith.constant 25 : i32
      "tpu.region"() ({
        %run_scoped3A_181 = tpu.sem_alloc : memref<!tpu.dma_semaphore, #tpu.memory_space<semaphore_mem>>
        %dma_start3A_182 = arith.constant 0 : i32
        %dma_start3A_183 = tpu.memref_slice %arg9[%run_scoped3A_180, %dma_start3A_182] : memref<40x128xi32, #tpu.memory_space<vmem>> -> memref<1x128xi32, #tpu.memory_space<vmem>>
        %dma_start3A_184 = tpu.memref_squeeze %dma_start3A_183 : memref<1x128xi32, #tpu.memory_space<vmem>> -> memref<128xi32, #tpu.memory_space<vmem>>
        %dma_start3A_185 = arith.constant 0 : i32
        %dma_start3A_186 = arith.constant 0 : i32
        %dma_start3A_187 = tpu.memref_slice %arg12[%dma_start3A_185, %dma_start3A_186] : memref<10112x128xf32, #tpu.memory_space<vmem_shared>> -> memref<10112x128xf32, #tpu.memory_space<vmem_shared>>
        tpu.enqueue_indirect_dma source(%arg11 : memref<128x128xf32, #tpu.memory_space<vmem>>) target(%dma_start3A_187 : memref<10112x128xf32, #tpu.memory_space<vmem_shared>>) offsets(%dma_start3A_184 : memref<128xi32, #tpu.memory_space<vmem>>) semaphore(%run_scoped3A_181 : memref<!tpu.dma_semaphore, #tpu.memory_space<semaphore_mem>>) {add = true}
        %dma_wait3A_188 = arith.constant 0 : i32
        %dma_wait3A_189 = tpu.memref_slice %arg9[%run_scoped3A_180, %dma_wait3A_188] : memref<40x128xi32, #tpu.memory_space<vmem>> -> memref<1x128xi32, #tpu.memory_space<vmem>>
        %dma_wait3A_190 = tpu.memref_squeeze %dma_wait3A_189 : memref<1x128xi32, #tpu.memory_space<vmem>> -> memref<128xi32, #tpu.memory_space<vmem>>
        %dma_wait3A_191 = arith.constant 0 : i32
        %dma_wait3A_192 = arith.constant 0 : i32
        %dma_wait3A_193 = tpu.memref_slice %arg12[%dma_wait3A_191, %dma_wait3A_192] : memref<10112x128xf32, #tpu.memory_space<vmem_shared>> -> memref<10112x128xf32, #tpu.memory_space<vmem_shared>>
        tpu.wait_indirect_dma semaphore(%run_scoped3A_181 : memref<!tpu.dma_semaphore, #tpu.memory_space<semaphore_mem>>) src(%arg11 : memref<128x128xf32, #tpu.memory_space<vmem>>) dst(%dma_wait3A_193 : memref<10112x128xf32, #tpu.memory_space<vmem_shared>>)
        tpu.yield
      }) : () -> ()
    } else {
    }
    %eq3A_26 = arith.constant 1 : i32
    %eq3A_27 = arith.cmpi eq, %arg0, %eq3A_26 : i32
    %convert_element_type3A_28 = arith.extui %eq3A_27 : i1 to i32
    %cond3A_29 = arith.constant 0 : i32
    %cond3A_30 = arith.cmpi ne, %convert_element_type3A_28, %cond3A_29 : i32
    scf.if %cond3A_30 {
      "tpu.region"() ({
        %run_scoped3A = tpu.sem_alloc : memref<!tpu.dma_semaphore, #tpu.memory_space<semaphore_mem>>
        %dma_start3A = arith.constant 0 : i32
        %dma_start3A_43 = arith.constant 0 : i32
        %dma_start3A_44 = tpu.memref_slice %arg8[%dma_start3A, %dma_start3A_43] : memref<40x128xi32, #tpu.memory_space<vmem>> -> memref<12x128xi32, #tpu.memory_space<vmem>>
        %dma_start3A_45 = arith.constant 0 : i32
        %dma_start3A_46 = arith.constant 0 : i32
        %dma_start3A_47 = tpu.memref_slice %arg5[%arg1, %dma_start3A_45, %dma_start3A_46] : memref<16x12x128xi32, #tpu.memory_space<hbm>> -> memref<1x12x128xi32, #tpu.memory_space<hbm>>
        %dma_start3A_48 = tpu.memref_squeeze %dma_start3A_47 : memref<1x12x128xi32, #tpu.memory_space<hbm>> -> memref<12x128xi32, #tpu.memory_space<hbm>>
        %dma_start3A_49 = arith.constant 0 : i32
        %dma_start3A_50 = arith.constant 0 : i32
        %dma_start3A_51 = tpu.memref_slice %arg8[%dma_start3A_49, %dma_start3A_50] : memref<40x128xi32, #tpu.memory_space<vmem>> -> memref<12x128xi32, #tpu.memory_space<vmem>>
        %dma_start3A_52 = arith.constant 0 : i32
        %dma_start3A_53 = arith.constant 0 : i32
        %dma_start3A_54 = tpu.memref_slice %arg5[%arg1, %dma_start3A_52, %dma_start3A_53] : memref<16x12x128xi32, #tpu.memory_space<hbm>> -> memref<1x12x128xi32, #tpu.memory_space<hbm>>
        %dma_start3A_55 = tpu.memref_squeeze %dma_start3A_54 : memref<1x12x128xi32, #tpu.memory_space<hbm>> -> memref<12x128xi32, #tpu.memory_space<hbm>>
        tpu.enqueue_dma source(%dma_start3A_55 : memref<12x128xi32, #tpu.memory_space<hbm>>) target(%dma_start3A_51 : memref<12x128xi32, #tpu.memory_space<vmem>>) target_semaphore(%run_scoped3A : memref<!tpu.dma_semaphore, #tpu.memory_space<semaphore_mem>>)
        %dma_wait3A = arith.constant 0 : i32
        %dma_wait3A_56 = arith.constant 0 : i32
        %dma_wait3A_57 = tpu.memref_slice %arg8[%dma_wait3A, %dma_wait3A_56] : memref<40x128xi32, #tpu.memory_space<vmem>> -> memref<12x128xi32, #tpu.memory_space<vmem>>
        %dma_wait3A_58 = arith.constant 0 : i32
        %dma_wait3A_59 = arith.constant 0 : i32
        %dma_wait3A_60 = tpu.memref_slice %arg5[%arg1, %dma_wait3A_58, %dma_wait3A_59] : memref<16x12x128xi32, #tpu.memory_space<hbm>> -> memref<1x12x128xi32, #tpu.memory_space<hbm>>
        %dma_wait3A_61 = tpu.memref_squeeze %dma_wait3A_60 : memref<1x12x128xi32, #tpu.memory_space<hbm>> -> memref<12x128xi32, #tpu.memory_space<hbm>>
        %dma_wait3A_62 = arith.constant 0 : i32
        %dma_wait3A_63 = arith.constant 0 : i32
        %dma_wait3A_64 = tpu.memref_slice %arg8[%dma_wait3A_62, %dma_wait3A_63] : memref<40x128xi32, #tpu.memory_space<vmem>> -> memref<12x128xi32, #tpu.memory_space<vmem>>
        %dma_wait3A_65 = arith.constant 0 : i32
        %dma_wait3A_66 = arith.constant 0 : i32
        %dma_wait3A_67 = tpu.memref_slice %arg5[%arg1, %dma_wait3A_65, %dma_wait3A_66] : memref<16x12x128xi32, #tpu.memory_space<hbm>> -> memref<1x12x128xi32, #tpu.memory_space<hbm>>
        %dma_wait3A_68 = tpu.memref_squeeze %dma_wait3A_67 : memref<1x12x128xi32, #tpu.memory_space<hbm>> -> memref<12x128xi32, #tpu.memory_space<hbm>>
        tpu.wait_dma2 semaphore(%run_scoped3A : memref<!tpu.dma_semaphore, #tpu.memory_space<semaphore_mem>>) src(%dma_wait3A_68 : memref<12x128xi32, #tpu.memory_space<hbm>>) dst(%dma_wait3A_64 : memref<12x128xi32, #tpu.memory_space<vmem>>)
        tpu.yield
      }) : () -> ()
      "tpu.region"() ({
        %run_scoped3A = tpu.sem_alloc : memref<!tpu.dma_semaphore, #tpu.memory_space<semaphore_mem>>
        %dma_start3A = arith.constant 0 : i32
        %dma_start3A_43 = arith.constant 0 : i32
        %dma_start3A_44 = tpu.memref_slice %arg9[%dma_start3A, %dma_start3A_43] : memref<40x128xi32, #tpu.memory_space<vmem>> -> memref<12x128xi32, #tpu.memory_space<vmem>>
        %dma_start3A_45 = arith.constant 0 : i32
        %dma_start3A_46 = arith.constant 0 : i32
        %dma_start3A_47 = tpu.memref_slice %arg6[%arg1, %dma_start3A_45, %dma_start3A_46] : memref<16x12x128xi32, #tpu.memory_space<hbm>> -> memref<1x12x128xi32, #tpu.memory_space<hbm>>
        %dma_start3A_48 = tpu.memref_squeeze %dma_start3A_47 : memref<1x12x128xi32, #tpu.memory_space<hbm>> -> memref<12x128xi32, #tpu.memory_space<hbm>>
        %dma_start3A_49 = arith.constant 0 : i32
        %dma_start3A_50 = arith.constant 0 : i32
        %dma_start3A_51 = tpu.memref_slice %arg9[%dma_start3A_49, %dma_start3A_50] : memref<40x128xi32, #tpu.memory_space<vmem>> -> memref<12x128xi32, #tpu.memory_space<vmem>>
        %dma_start3A_52 = arith.constant 0 : i32
        %dma_start3A_53 = arith.constant 0 : i32
        %dma_start3A_54 = tpu.memref_slice %arg6[%arg1, %dma_start3A_52, %dma_start3A_53] : memref<16x12x128xi32, #tpu.memory_space<hbm>> -> memref<1x12x128xi32, #tpu.memory_space<hbm>>
        %dma_start3A_55 = tpu.memref_squeeze %dma_start3A_54 : memref<1x12x128xi32, #tpu.memory_space<hbm>> -> memref<12x128xi32, #tpu.memory_space<hbm>>
        tpu.enqueue_dma source(%dma_start3A_55 : memref<12x128xi32, #tpu.memory_space<hbm>>) target(%dma_start3A_51 : memref<12x128xi32, #tpu.memory_space<vmem>>) target_semaphore(%run_scoped3A : memref<!tpu.dma_semaphore, #tpu.memory_space<semaphore_mem>>)
        %dma_wait3A = arith.constant 0 : i32
        %dma_wait3A_56 = arith.constant 0 : i32
        %dma_wait3A_57 = tpu.memref_slice %arg9[%dma_wait3A, %dma_wait3A_56] : memref<40x128xi32, #tpu.memory_space<vmem>> -> memref<12x128xi32, #tpu.memory_space<vmem>>
        %dma_wait3A_58 = arith.constant 0 : i32
        %dma_wait3A_59 = arith.constant 0 : i32
        %dma_wait3A_60 = tpu.memref_slice %arg6[%arg1, %dma_wait3A_58, %dma_wait3A_59] : memref<16x12x128xi32, #tpu.memory_space<hbm>> -> memref<1x12x128xi32, #tpu.memory_space<hbm>>
        %dma_wait3A_61 = tpu.memref_squeeze %dma_wait3A_60 : memref<1x12x128xi32, #tpu.memory_space<hbm>> -> memref<12x128xi32, #tpu.memory_space<hbm>>
        %dma_wait3A_62 = arith.constant 0 : i32
        %dma_wait3A_63 = arith.constant 0 : i32
        %dma_wait3A_64 = tpu.memref_slice %arg9[%dma_wait3A_62, %dma_wait3A_63] : memref<40x128xi32, #tpu.memory_space<vmem>> -> memref<12x128xi32, #tpu.memory_space<vmem>>
        %dma_wait3A_65 = arith.constant 0 : i32
        %dma_wait3A_66 = arith.constant 0 : i32
        %dma_wait3A_67 = tpu.memref_slice %arg6[%arg1, %dma_wait3A_65, %dma_wait3A_66] : memref<16x12x128xi32, #tpu.memory_space<hbm>> -> memref<1x12x128xi32, #tpu.memory_space<hbm>>
        %dma_wait3A_68 = tpu.memref_squeeze %dma_wait3A_67 : memref<1x12x128xi32, #tpu.memory_space<hbm>> -> memref<12x128xi32, #tpu.memory_space<hbm>>
        tpu.wait_dma2 semaphore(%run_scoped3A : memref<!tpu.dma_semaphore, #tpu.memory_space<semaphore_mem>>) src(%dma_wait3A_68 : memref<12x128xi32, #tpu.memory_space<hbm>>) dst(%dma_wait3A_64 : memref<12x128xi32, #tpu.memory_space<vmem>>)
        tpu.yield
      }) : () -> ()
      %scan3A_36 = arith.constant 0 : i32
      %scan3A_37 = arith.constant 0 : i32
      %scan3A_38 = arith.constant 12 : i32
      %scan3A_39 = arith.addi %scan3A_37, %scan3A_38 : i32
      %scan3A_40 = arith.constant 1 : i32
      %scan3A_41 = scf.for %scan3A_43 = %scan3A_37 to %scan3A_39 step %scan3A_40 iter_args(%scan3A_44 = %scan3A_36) -> (i32)  : i32 {
        %dma_start3A = arith.constant 0 : i32
        %dma_start3A_45 = tpu.memref_slice %arg8[%scan3A_43, %dma_start3A] : memref<40x128xi32, #tpu.memory_space<vmem>> -> memref<1x128xi32, #tpu.memory_space<vmem>>
        %dma_start3A_46 = tpu.memref_squeeze %dma_start3A_45 : memref<1x128xi32, #tpu.memory_space<vmem>> -> memref<128xi32, #tpu.memory_space<vmem>>
        %dma_start3A_47 = arith.constant 0 : i32
        %dma_start3A_48 = arith.constant 0 : i32
        %dma_start3A_49 = tpu.memref_slice %arg2[%dma_start3A_47, %dma_start3A_48] : memref<10000x128xf32, #tpu.memory_space<hbm>> -> memref<10000x128xf32, #tpu.memory_space<hbm>>
        tpu.enqueue_indirect_dma source(%dma_start3A_49 : memref<10000x128xf32, #tpu.memory_space<hbm>>) target(%arg10 : memref<128x128xf32, #tpu.memory_space<vmem>>) offsets(%dma_start3A_46 : memref<128xi32, #tpu.memory_space<vmem>>) semaphore(%arg13 : memref<!tpu.dma_semaphore, #tpu.memory_space<semaphore_mem>>)
        %dma_wait3A = arith.constant 0 : i32
        %dma_wait3A_50 = tpu.memref_slice %arg8[%scan3A_43, %dma_wait3A] : memref<40x128xi32, #tpu.memory_space<vmem>> -> memref<1x128xi32, #tpu.memory_space<vmem>>
        %dma_wait3A_51 = tpu.memref_squeeze %dma_wait3A_50 : memref<1x128xi32, #tpu.memory_space<vmem>> -> memref<128xi32, #tpu.memory_space<vmem>>
        %dma_wait3A_52 = arith.constant 0 : i32
        %dma_wait3A_53 = arith.constant 0 : i32
        %dma_wait3A_54 = tpu.memref_slice %arg2[%dma_wait3A_52, %dma_wait3A_53] : memref<10000x128xf32, #tpu.memory_space<hbm>> -> memref<10000x128xf32, #tpu.memory_space<hbm>>
        tpu.wait_indirect_dma semaphore(%arg13 : memref<!tpu.dma_semaphore, #tpu.memory_space<semaphore_mem>>) src(%dma_wait3A_54 : memref<10000x128xf32, #tpu.memory_space<hbm>>) dst(%arg10 : memref<128x128xf32, #tpu.memory_space<vmem>>)
        "tpu.region"() ({
          %run_scoped3A = tpu.sem_alloc : memref<!tpu.dma_semaphore, #tpu.memory_space<semaphore_mem>>
          %dma_start3A_56 = arith.constant 0 : i32
          %dma_start3A_57 = tpu.memref_slice %arg9[%scan3A_43, %dma_start3A_56] : memref<40x128xi32, #tpu.memory_space<vmem>> -> memref<1x128xi32, #tpu.memory_space<vmem>>
          %dma_start3A_58 = tpu.memref_squeeze %dma_start3A_57 : memref<1x128xi32, #tpu.memory_space<vmem>> -> memref<128xi32, #tpu.memory_space<vmem>>
          %dma_start3A_59 = arith.constant 0 : i32
          %dma_start3A_60 = arith.constant 0 : i32
          %dma_start3A_61 = tpu.memref_slice %arg12[%dma_start3A_59, %dma_start3A_60] : memref<10112x128xf32, #tpu.memory_space<vmem_shared>> -> memref<10112x128xf32, #tpu.memory_space<vmem_shared>>
          tpu.enqueue_indirect_dma source(%arg10 : memref<128x128xf32, #tpu.memory_space<vmem>>) target(%dma_start3A_61 : memref<10112x128xf32, #tpu.memory_space<vmem_shared>>) offsets(%dma_start3A_58 : memref<128xi32, #tpu.memory_space<vmem>>) semaphore(%run_scoped3A : memref<!tpu.dma_semaphore, #tpu.memory_space<semaphore_mem>>) {add = true}
          %dma_wait3A_62 = arith.constant 0 : i32
          %dma_wait3A_63 = tpu.memref_slice %arg9[%scan3A_43, %dma_wait3A_62] : memref<40x128xi32, #tpu.memory_space<vmem>> -> memref<1x128xi32, #tpu.memory_space<vmem>>
          %dma_wait3A_64 = tpu.memref_squeeze %dma_wait3A_63 : memref<1x128xi32, #tpu.memory_space<vmem>> -> memref<128xi32, #tpu.memory_space<vmem>>
          %dma_wait3A_65 = arith.constant 0 : i32
          %dma_wait3A_66 = arith.constant 0 : i32
          %dma_wait3A_67 = tpu.memref_slice %arg12[%dma_wait3A_65, %dma_wait3A_66] : memref<10112x128xf32, #tpu.memory_space<vmem_shared>> -> memref<10112x128xf32, #tpu.memory_space<vmem_shared>>
          tpu.wait_indirect_dma semaphore(%run_scoped3A : memref<!tpu.dma_semaphore, #tpu.memory_space<semaphore_mem>>) src(%arg10 : memref<128x128xf32, #tpu.memory_space<vmem>>) dst(%dma_wait3A_67 : memref<10112x128xf32, #tpu.memory_space<vmem_shared>>)
          tpu.yield
        }) : () -> ()
        %scan3A_55 = arith.constant 0 : i32
        scf.yield %scan3A_55 : i32
      }
      %scan3A_42 = arith.constant 12 : i32
    } else {
    }
    %barrier3A_31 = arith.constant 0 : index
    tpu.barrier barrier_id(%barrier3A_31)
    %mul3A_32 = arith.constant 632 : i32
    %mul3A_33 = arith.muli %arg1, %mul3A_32 : i32
    %mul3A_34 = arith.constant 632 : i32
    %mul3A_35 = arith.muli %arg1, %mul3A_34 : i32
    "tpu.region"() ({
      %run_scoped3A = tpu.sem_alloc : memref<!tpu.dma_semaphore, #tpu.memory_space<semaphore_mem>>
      %dma_start3A = arith.constant 0 : i32
      %dma_start3A_36 = tpu.memref_slice %arg7[%arg0, %mul3A_35, %dma_start3A] : memref<2x10112x128xf32, #tpu.memory_space<hbm>> -> memref<1x632x128xf32, #tpu.memory_space<hbm>>
      %dma_start3A_37 = tpu.memref_squeeze %dma_start3A_36 : memref<1x632x128xf32, #tpu.memory_space<hbm>> -> memref<632x128xf32, #tpu.memory_space<hbm>>
      %dma_start3A_38 = arith.constant 0 : i32
      %dma_start3A_39 = tpu.memref_slice %arg12[%mul3A_33, %dma_start3A_38] : memref<10112x128xf32, #tpu.memory_space<vmem_shared>> -> memref<632x128xf32, #tpu.memory_space<vmem_shared>>
      tpu.enqueue_dma source(%dma_start3A_39 : memref<632x128xf32, #tpu.memory_space<vmem_shared>>) target(%dma_start3A_37 : memref<632x128xf32, #tpu.memory_space<hbm>>) target_semaphore(%run_scoped3A : memref<!tpu.dma_semaphore, #tpu.memory_space<semaphore_mem>>)
      %dma_wait3A = arith.constant 0 : i32
      %dma_wait3A_40 = tpu.memref_slice %arg7[%arg0, %mul3A_35, %dma_wait3A] : memref<2x10112x128xf32, #tpu.memory_space<hbm>> -> memref<1x632x128xf32, #tpu.memory_space<hbm>>
      %dma_wait3A_41 = tpu.memref_squeeze %dma_wait3A_40 : memref<1x632x128xf32, #tpu.memory_space<hbm>> -> memref<632x128xf32, #tpu.memory_space<hbm>>
      %dma_wait3A_42 = arith.constant 0 : i32
      %dma_wait3A_43 = tpu.memref_slice %arg12[%mul3A_33, %dma_wait3A_42] : memref<10112x128xf32, #tpu.memory_space<vmem_shared>> -> memref<632x128xf32, #tpu.memory_space<vmem_shared>>
      tpu.wait_dma2 semaphore(%run_scoped3A : memref<!tpu.dma_semaphore, #tpu.memory_space<semaphore_mem>>) src(%dma_wait3A_43 : memref<632x128xf32, #tpu.memory_space<vmem_shared>>) dst(%dma_wait3A_41 : memref<632x128xf32, #tpu.memory_space<hbm>>)
      tpu.yield
    }) : () -> ()
    return
  }
}

</mosaic_0001>

<sc_bundles>
// kernel: _sc_spmm.3.cloned.1.call-start
scs
__scs_entry_jumppad:
0x0: {  	(pc) =	sbr.rel $0x88, $3  }
0x1: {  	(tag) =	ssettag $0x0;
	lr =	simm.s32 $0x1  }
0x2: {  	[smem:$0x3F9C] =	sst lr;
	_ =	strace $0xD0000000  }
0x3: {  	_ = 	snop  }
0x4: {  	_ = 	snop  }
0x5: {  	_ = 	snop  }
0x6: {  	_ = 	snop  }
0x7: {  	_ = 	snop  }
__scs_overlays_trampoline_lowered:
0x8: {  	[smem:$0x3FAB] =	sst s0  }
0x9: {  	[smem:$0x3FAC] =	sst s1  }
0xa: {  	[smem:$0x3FAD] =	sst s2  }
0xb: {  	[smem:$0x3FAE] =	sst s3  }
0xc: {  	[smem:$0x3FAF] =	sst s4  }
0xd: {  	[smem:$0x3FB0] =	sst s5  }
0xe: {  	[smem:$0x3FB1] =	sst s6  }
0xf: {  	[smem:$0x3FB2] =	sst s7  }
0x10: {  	[smem:$0x3FB3] =	sst s8  }
0x11: {  	[smem:$0x3FB4] =	sst s9;
	s0 =	simm.s32 @!p0 $0x0  }
0x12: {  	s1 =	sld [smem:$0x3F9A];
	s0 =	simm.s32 @p0 $0x1  }
0x13: {  	[smem:$0x3FB5] =	sst s0;
	s0 =	simm.s32 @!p1 $0x0  }
0x14: {  	s2 =	sld [smem:$0x3F99];
	s0 =	simm.s32 @p1 $0x1  }
0x15: {  	[smem:$0x3FB6] =	sst s0;
	s0 =	simm.s32 @!p2 $0x0  }
0x16: {  	s3 =	sld [smem:$0x3FDB];
	s0 =	simm.s32 @p2 $0x1  }
0x17: {  	s4 =	simm.s32 $0x1BF5;
	[smem:$0x3FB8] =	sst s0  }
0x18: {  	s0 =	sld [smem:$0x3F9B];
	_ =	swait.ge [sflag:s4], $0x0  }
0x19: {  	s7 =	sld [smem:$0x3F9C]  }
0x1a: {  	s8 =	sadd.s32 $0xFFFFE003, lr  }
0x1b: {  	s9 =	sadd.s32 $0xFFFFFEF7, lr;
	s5 =	simm.s32 $0xFFFFFFFF;
	p2 =	slt.u32 s8, $0xFFFFF086  }
0x1c: {  	p1 =	slt.u32 s9, $0xF7A;
	s5 =	simm.s32 @!p2 $0x0  }
0x1d: {  	s5 =	simm.s32 @p1 $0x1;
	p0 =	seq.s32 s7, s2  }
0x1e: {  	s7 =	smul.u32 @!p0 $0xF7A, s2;
	p2 =	seq.s32 @!p0 s5, $0x0  }
0x1f: {  	s9 =	smul.u32 $0xF7A, s1;
	s8 =	simm.s32 @!p0 $0x1BF5;
	p2 =	por !p2, p0  }
0x20: {  	[sflag:s8] =	ssyncset.s32 @!p0 $0xFFFFF086;
	s6 =	sadd.s32 @!p0 s3, s7;
	s7 =	simm.s32 @!p0 $0x108  }
0x21: {  	s3 =	sadd.s32 s3, s9;
	s6 =	sadd.s32 @!p0 $0x88, s6;
	s7 =	simm.s32 @p2 $0x1082  }
0x22: {  	[simem:s7], [sflag:s8] =	dma.local @!p0 [hbm:s6], $0xF7A  }
0x23: {  	s9 =	sor.u32 $0xD0000000, s2;
	s6 =	simm.s32 $0x108;
	_ =	swait.ge @!p0 [sflag:s8], $0x0  }
0x24: {  	s3 =	sadd.s32 $0x88, s3;
	s6 =	simm.s32 @!p1 $0x1082;
	[sflag:s4] =	ssyncset.s32 $0xFFFFF086  }
0x25: {  	[simem:s6], [sflag:s4] =	dma.local [hbm:s3], $0xF7A  }
0x26: {  	[smem:$0x3F9C] =	sst s1;
	(tag) =	ssettag s2;
	_ =	strace s9  }
0x27: {  	s1 =	sld [smem:$0x3FAC]  }
0x28: {  	s2 =	sld [smem:$0x3FAD]  }
0x29: {  	s4 =	sld [smem:$0x3FAF]  }
0x2a: {  	p0 =	seq.s32 s5, $0x0;
	s5 =	sld [smem:$0x3FB0]  }
0x2b: {  	s6 =	sld [smem:$0x3FB1]  }
0x2c: {  	s7 =	sld [smem:$0x3FB2]  }
0x2d: {  	s3 =	simm.s32 $0x108;
	s8 =	sld [smem:$0x3FB3]  }
0x2e: {  	s3 =	simm.s32 @!p0 $0x1082;
	s9 =	sld [smem:$0x3FB4]  }
0x2f: {  	lr =	sadd.s32 s0, s3;
	s0 =	sld [smem:$0x3FAB]  }
0x30: {  	s3 =	sld [smem:$0x3FAE]  }
0x31: {  	[smem:$0x3FB7] =	sst s10  }
0x32: {  	s10 =	sld [smem:$0x3FB5];
	_ =	sdelay $0x3  }
0x33: {  	p0 =	seq.s32 s10, $0x1;
	s10 =	sld [smem:$0x3FB7];
	_ =	sdelay $0x3  }
0x34: {  	[smem:$0x3FB7] =	sst s10  }
0x35: {  	s10 =	sld [smem:$0x3FB6];
	_ =	sdelay $0x3  }
0x36: {  	p1 =	seq.s32 s10, $0x1;
	s10 =	sld [smem:$0x3FB7];
	_ =	sdelay $0x3  }
0x37: {  	[smem:$0x3FB7] =	sst s10  }
0x38: {  	s10 =	sld [smem:$0x3FB8]  }
0x39: {  	_ = 	snop;
	(pc) =	sbr.ind lr, $3  }
0x3a: {  	_ = 	snop  }
0x3b: {  	_ = 	snop  }
0x3c: {  	p2 =	seq.s32 s10, $0x1;
	s10 =	sld [smem:$0x3FB7]  }
0x3d: {  	_ =	shalt  }
0x3e: {  	_ =	shalt  }
0x3f: {  	_ =	shalt  }
0x40: {  	_ =	shalt  }
0x41: {  	_ =	shalt  }
0x42: {  	_ =	shalt  }
0x43: {  	_ =	shalt  }
0x44: {  	_ =	shalt  }
0x45: {  	_ =	shalt  }
0x46: {  	_ =	shalt  }
0x47: {  	_ =	shalt  }
0x48: {  	_ =	shalt  }
0x49: {  	_ =	shalt  }
0x4a: {  	_ =	shalt  }
0x4b: {  	_ =	shalt  }
0x4c: {  	_ =	shalt  }
0x4d: {  	_ =	shalt  }
0x4e: {  	_ =	shalt  }
0x4f: {  	_ =	shalt  }
0x50: {  	_ =	shalt  }
0x51: {  	_ =	shalt  }
0x52: {  	_ =	shalt  }
0x53: {  	_ =	shalt  }
0x54: {  	_ =	shalt  }
0x55: {  	_ =	shalt  }
0x56: {  	_ =	shalt  }
0x57: {  	_ =	shalt  }
0x58: {  	_ =	shalt  }
0x59: {  	_ =	shalt  }
0x5a: {  	_ =	shalt  }
0x5b: {  	_ =	shalt  }
0x5c: {  	_ =	shalt  }
0x5d: {  	_ =	shalt  }
0x5e: {  	_ =	shalt  }
0x5f: {  	_ =	shalt  }
0x60: {  	_ =	shalt  }
0x61: {  	_ =	shalt  }
0x62: {  	_ =	shalt  }
0x63: {  	_ =	shalt  }
0x64: {  	_ =	shalt  }
0x65: {  	_ =	shalt  }
0x66: {  	_ =	shalt  }
0x67: {  	_ =	shalt  }
0x68: {  	_ =	shalt  }
0x69: {  	_ =	shalt  }
0x6a: {  	_ =	shalt  }
0x6b: {  	_ =	shalt  }
0x6c: {  	_ =	shalt  }
0x6d: {  	_ =	shalt  }
0x6e: {  	_ =	shalt  }
0x6f: {  	_ =	shalt  }
0x70: {  	_ =	shalt  }
0x71: {  	_ =	shalt  }
0x72: {  	_ =	shalt  }
0x73: {  	_ =	shalt  }
0x74: {  	_ =	shalt  }
0x75: {  	_ =	shalt  }
0x76: {  	_ =	shalt  }
0x77: {  	_ =	shalt  }
0x78: {  	_ =	shalt  }
0x79: {  	_ =	shalt  }
0x7a: {  	_ =	shalt  }
0x7b: {  	_ =	shalt  }
0x7c: {  	_ =	shalt  }
0x7d: {  	_ =	shalt  }
0x7e: {  	_ =	shalt  }
0x7f: {  	_ =	shalt  }
0x80: {  	_ =	shalt  }
0x81: {  	_ =	shalt  }
0x82: {  	_ =	shalt  }
0x83: {  	_ =	shalt  }
0x84: {  	_ =	shalt  }
0x85: {  	_ =	shalt  }
0x86: {  	_ =	shalt  }
0x87: {  	_ =	shalt  }
.Lfunc_end0:
.L_simem_size_0:
called_computation_lowered:
.L_overlay_start_0:
0x88: {  	s2 =	sld [smem:$0x3FD9]  }
0x89: {  	s3 =	sld [smem:$0x3FFE];
	_ =	sdelay $0x1  }
0x8a: {  	s1 =	srdreg.scid  }
0x8b: {  	s0 =	sand.u32 $0x1, s1  }
0x8c: {  	s17 =	sshll.u32 s0, $0xA;
	s2 =	sadd.s32 s3, s2  }
0x8d: {  	s2 =	sadd.s32 s2, s17  }
0x8e: {  	[smem:$0x3FC3] =	sst s2  }
0x8f: {  	_ = 	snop  }
0x90: {  	s2 =	sld [smem:$0x3FC9]  }
0x91: {  	s18 =	sld [smem:$0x3FD0];
	(tm) =	ssettm $0x1  }
0x92: {  	s4 =	sld [smem:$0x3FFB];
	_ =	sdelay $0x3  }
0x93: {  	_ =	strace s4  }
0x94: {  	s4 =	sld [smem:$0x3FFC];
	_ =	sdelay $0x3  }
0x95: {  	_ =	strace s4  }
0x96: {  	s4 =	sld [smem:$0x3FFD];
	_ =	sdelay $0x3  }
0x97: {  	_ =	strace s4  }
0x98: {  	_ =	strace $0x8FFFFFFF  }
0x99: {  	s19 =	sld [smem:$0x3FDB];
	_ =	sdelay $0x1  }
0x9a: {  	s5 =	simm.s32 $_scs_section_size  }
0x9b: {  	s6 =	simm.s32 $_size__tile_overlayer_lowered;
	s7 =	simm.s32 $_tile_overlayer_lowered  }
0x9c: {  	s22 =	simm.s32 $0x1BFF;
	s21 =	sshll.u32 s7, $0x1;
	s4 =	sadd.s32 s5, s19  }
0x9d: {  	s8 =	simm.s32 $0x0;
	s20 =	sshll.u32 s6, $0x1;
	s6 =	sadd.s32 s21, s4  }
0x9e: {  	[timem:s8], [sflag:s22] =	dma.local [hbm:s6], s20  }
0x9f: {  	_ =	swait.ge [sflag:s22], s20  }
0xa0: {  	s5 =	ssub.s32 $0x0, s20;
	[sflag:s22] =	ssyncset.done $0x0  }
0xa1: {  	[sflag:s22] =	ssyncadd.s32 s5;
	_ =	sdelay $0x1  }
0xa2: {  	s23 =	simm.s32 $0x1B8B  }
0xa3: {  	_ =	swait.ge [sflag:s23], $0x1  }
0xa4: {  	[sflag:s23] =	ssyncset.done $0x0  }
0xa5: {  	s25 =	simm.s32 $0x1B8E;
	s24 =	sld [smem:$0x3FFE];
	[sflag:s23] =	ssyncadd.s32 $0xFFFFFFFF  }
0xa6: {  	s26 =	simm.s32 $execute0_lowered;
	[smem:$0x3FD2] =	sst s25  }
0xa7: {  	s6 =	sshll.u32 s26, $0x1;
	_ =	strace $0x80000046;
	[dreg:$0x1] =	wrdreg $0xFFFFFFFF  }
0xa8: {  	s28 =	simm.s32 $_size_execute0_lowered;
	s4 =	sadd.s32 s4, s6;
	[dreg:$0x0] =	wrdreg $0x0  }
0xa9: {  	s6 =	sshll.u32 s28, $0x1;
	[dreg:$0x2] =	wrdreg s4  }
0xaa: {  	[dreg:$0x3] =	wrdreg s6  }
0xab: {  	[dreg:$0x4] =	wrdreg $0xC0  }
0xac: {  	_ =	task [dreg:s8], $0x5FFFF  }
0xad: {  	[dreg:$0x1] =	wrdreg $0xFFFFFFFF  }
0xae: {  	[dreg:$0x0] =	wrdreg $0x60  }
0xaf: {  	[dreg:$0x2] =	wrdreg s2  }
0xb0: {  	[dreg:$0x3] =	wrdreg s24  }
0xb1: {  	[dreg:$0x4] =	wrdreg s18  }
0xb2: {  	[dreg:$0x5] =	wrdreg $0xA8000  }
0xb3: {  	[dreg:$0x6] =	wrdreg $0x9  }
0xb4: {  	_ =	task.clear_ibuf [dreg:s8], $0x7FFFF;
	_ =	strace $0x90000046  }
0xb5: {  	s29 =	simm.s32 $0x9;
	_ =	strace $0x80000048  }
0xb6: {  	_ =	swait.ge [sflag:s29], $0x1  }
0xb7: {  	[sflag:s29] =	ssyncadd.s32 $0xFFFFFFFF  }
0xb8: {  	_ =	strace $0x90000048  }
0xb9: {  	_ =	sfence  }
0xba: {  	s30 =	sld [smem:$0x0];
	_ =	sdelay $0x2  }
0xbb: {  	s31 =	sshll.u32 s1, $0xD;
	s1 =	sshrl.u32 s1, $0x2  }
0xbc: {  	s3 =	sand.u32 $0x4000, s31;
	s1 =	sadd.s32 s1, s30  }
0xbd: {  	s0 =	sor.u32 s3, s0;
	s1 =	sshll.u32 s1, $0x11  }
0xbe: {  	s0 =	sor.u32 s1, s0  }
0xbf: {  	s0 =	sadd.s32 $0x8F2B, s0  }
0xc0: {  	[sflag:s0] =	ssyncadd.remote.s32 $0x1  }
0xc1: {  	_ =	sfence.sel $0xFFFF  }
0xc2: {  	[dreg:$0x0] =	wrdreg $0xFFFFFFFF;
	(pc) =	sbr.abs _section_cstart, $3  }
0xc3: {  	[dreg:$0x1] =	wrdreg $0xFFFFFFFF  }
0xc4: {  	_ =	task.clear_ibuf [dreg:s8], $0x2FFFF;
	_ =	strace $0x9FFFFFFF  }
0xc5: {  	(tm) =	ssettm $0x7FFFFFFF  }
tec
execute0_lowered:
.L_overlay_start_1:
0x0: {  	(tag) =	ssettag $0x1  }
0x1: {  	s1 =	rddreg [dreg:$0x0]  }
0x2: {  	s0 =	rddreg [dreg:$0x1]  }
0x3: {  	s10 =	rddreg [dreg:$0x2]  }
0x4: {  	s3 =	rddreg [dreg:$0x3];
	s4 =	simm.s32 $0x0;
	s2 =	stileid.u32  }
0x5: {  	s5 =	srdreg.scid;
	s29 =	simm.s32 $0x6800;
	s30 =	simm.s32 $0x2  }
0x6: {  	s31 =	simm.s32 $0x2700;
	s28 =	simm.s32 $0x0;
	[smem:$0x7FF] =	sst s4  }
0x7: {  	s6 =	smul.u32 $0x4F000, s2;
	s11 =	sadd.s32 $0x2600, s0;
	s17 =	sadd.s32 $0xBE00, s0  }
0x8: {  	s12 =	sand.u32 $0x1, s5;
	s7 =	sshll.u32 s2, $0x8;
	s9 =	smul.u32 $0x4C00, s2  }
0x9: {  	s19 =	smul.u32 $0x13C00, s2;
	_ =	strace $0x80000047;
	s8 =	ssub.s32 $0x2, s12  }
0xa: {  	s0 =	sadd.s32 s7, s0;
	p0 =	seq.s32 s12, $0x1;
	s18 =	smul.u32 $0x13C000, s12  }
0xb: {  	s21 =	sshrl.u32 s6, $0x2;
	s22 =	sshrl.u32 s8, $0x1;
	s15 =	sshrl.u32 s9, $0x3  }
0xc: {  	s5 =	sadd.s32 s21, s3;
	s21 =	ssub.s32 s8, s22;
	s13 =	sadd.s32 s11, s15  }
0xd: {  	s23 =	sadd.s32 s17, s15;
	s24 =	sadd.s32 $0x280, s15;
	s16 =	sadd.s32 $0x500, s15  }
0xe: {  	s20 =	sadd.s32 $0x780, s15;
	s26 =	sadd.s32 s19, s18;
	s18 =	sadd.s32 $0x600, s0  }
0xf: {  	s19 =	sadd.s32 $0x1600, s0;
	s22 =	simm.s32 $0x2800;
	s0 =	simm.s32 $0x2780  }
0x10: {  	s6 =	sadd.s32 $0x4000, s5;
	s7 =	sadd.s32 $0x8000, s5;
	[dreg:$0x5] =	wrdreg s13  }
0x11: {  	s8 =	sadd.s32 $0xC000, s5;
	s9 =	sadd.s32 $0x10000, s5;
	[dreg:$0x6] =	wrdreg s23  }
.Ltmp0:
0x12: {  	s25 =	sadd.s32 s11, s24;
	s13 =	sadd.s32 s17, s24;
	(pc) =	sbr.rel .LBB2_1-.Ltmp0, $4  }
0x13: {  	s14 =	sadd.s32 s11, s16;
	s15 =	sadd.s32 s17, s16;
	s16 =	sadd.s32 s11, s20  }
0x14: {  	s17 =	sadd.s32 s17, s20;
	s11 =	sshrl.u32 s26, $0x3;
	s21 =	smax.u32 s21, $0x1  }
0x15: {  	s23 =	simm.s32 $0x3;
	s24 =	simm.s32 $0x1400;
	s26 =	simm.s32 $0x1  }
0x16: {  	v0 =	vimm.f32 $0.0e+00;
	[dreg:$0x7] =	wrdreg s25;
	s20 =	sadd.s32 s10, s11;
	s25 =	simm.s32 $0x80  }
.LBB2_13:
0x17: {  	[tilespmem:s4], [sflag:$0x3] =	stream.linear.gather [hbm4b:s18+s4], $0x600, $0x38;
	[tilespmem:$0x1E400] =	vst v63  }
0x18: {  	_ =	swait.ge [sflag:s23], $0x600  }
0x19: {  	[sflag:s23] =	ssyncset.done $0x0  }
0x1a: {  	[sflag:s23] =	ssyncadd.s32 $0xFFFFFA00  }
0x1b: {  	[tilespmem:s24], [sflag:$0x3] =	stream.linear.gather [hbm4b:s19+s4], $0x600, $0x38;
	[tilespmem:$0x1E400] =	vst v63  }
0x1c: {  	_ =	swait.ge [sflag:s23], $0x600  }
0x1d: {  	[sflag:s23] =	ssyncset.done $0x0  }
0x1e: {  	[sflag:s23] =	ssyncadd.s32 $0xFFFFFA00  }
0x1f: {  	[tilespmem:s22], [sflag:$0x1] =	stream.indirect.gather [hbm4b:s1+s25], $0x80, s4, s25, $0xb8;
	[tilespmem:$0x1E400] =	vst v63  }
0x20: {  	_ =	swait.ge [sflag:s26], $0x4000  }
0x21: {  	[sflag:s26] =	ssyncset.done $0x0  }
0x22: {  	[sflag:s26] =	ssyncadd.s32 $0xFFFFC000  }
0x23: {  	[spmem:s3] =	stream.indirect.scatter.add.f32 [tilespmem:s22], [sflag:$0x3], $0x80, s24, s25, $0xb8;
	[tilespmem:$0x1E400] =	vst v63  }
0x24: {  	_ =	swait.ge [sflag:s23], $0x4000  }
0x25: {  	[sflag:s23] =	ssyncset.done $0x0  }
0x26: {  	[sflag:s23] =	ssyncadd.s32 $0xFFFFC000  }
0x27: {  	[tilespmem:s22], [sflag:$0x1] =	stream.indirect.gather [hbm4b:s1+s25], $0x80, s25, s25, $0xb8;
	[tilespmem:$0x1E400] =	vst v63  }
0x28: {  	_ =	swait.ge [sflag:s26], $0x4000  }
0x29: {  	[sflag:s26] =	ssyncset.done $0x0  }
0x2a: {  	s10 =	simm.s32 $0x1480;
	[sflag:s26] =	ssyncadd.s32 $0xFFFFC000  }
0x2b: {  	[spmem:s3] =	stream.indirect.scatter.add.f32 [tilespmem:s22], [sflag:$0x3], $0x80, s10, s25, $0xb8;
	[tilespmem:$0x1E400] =	vst v63  }
0x2c: {  	_ =	swait.ge [sflag:s23], $0x4000  }
0x2d: {  	[sflag:s23] =	ssyncset.done $0x0  }
0x2e: {  	s11 =	simm.s32 $0x100;
	[sflag:s23] =	ssyncadd.s32 $0xFFFFC000  }
0x2f: {  	[tilespmem:s22], [sflag:$0x1] =	stream.indirect.gather [hbm4b:s1+s25], $0x80, s11, s25, $0xb8;
	[tilespmem:$0x1E400] =	vst v63  }
0x30: {  	_ =	swait.ge [sflag:s26], $0x4000  }
0x31: {  	[sflag:s26] =	ssyncset.done $0x0  }
0x32: {  	s12 =	simm.s32 $0x1500;
	[sflag:s26] =	ssyncadd.s32 $0xFFFFC000  }
0x33: {  	[spmem:s3] =	stream.indirect.scatter.add.f32 [tilespmem:s22], [sflag:$0x3], $0x80, s12, s25, $0xb8;
	[tilespmem:$0x1E400] =	vst v63  }
0x34: {  	_ =	swait.ge [sflag:s23], $0x4000  }
0x35: {  	[sflag:s23] =	ssyncset.done $0x0  }
0x36: {  	s11 =	simm.s32 $0x180;
	[sflag:s23] =	ssyncadd.s32 $0xFFFFC000  }
0x37: {  	[tilespmem:s22], [sflag:$0x1] =	stream.indirect.gather [hbm4b:s1+s25], $0x80, s11, s25, $0xb8;
	[tilespmem:$0x1E400] =	vst v63  }
0x38: {  	_ =	swait.ge [sflag:s26], $0x4000  }
0x39: {  	[sflag:s26] =	ssyncset.done $0x0  }
0x3a: {  	s12 =	simm.s32 $0x1580;
	[sflag:s26] =	ssyncadd.s32 $0xFFFFC000  }
0x3b: {  	[spmem:s3] =	stream.indirect.scatter.add.f32 [tilespmem:s22], [sflag:$0x3], $0x80, s12, s25, $0xb8;
	[tilespmem:$0x1E400] =	vst v63  }
0x3c: {  	_ =	swait.ge [sflag:s23], $0x4000  }
0x3d: {  	[sflag:s23] =	ssyncset.done $0x0  }
0x3e: {  	s11 =	simm.s32 $0x200;
	[sflag:s23] =	ssyncadd.s32 $0xFFFFC000  }
0x3f: {  	[tilespmem:s22], [sflag:$0x1] =	stream.indirect.gather [hbm4b:s1+s25], $0x80, s11, s25, $0xb8;
	[tilespmem:$0x1E400] =	vst v63  }
0x40: {  	_ =	swait.ge [sflag:s26], $0x4000  }
0x41: {  	[sflag:s26] =	ssyncset.done $0x0  }
0x42: {  	s12 =	simm.s32 $0x1600;
	[sflag:s26] =	ssyncadd.s32 $0xFFFFC000  }
0x43: {  	[spmem:s3] =	stream.indirect.scatter.add.f32 [tilespmem:s22], [sflag:$0x3], $0x80, s12, s25, $0xb8;
	[tilespmem:$0x1E400] =	vst v63  }
0x44: {  	_ =	swait.ge [sflag:s23], $0x4000  }
0x45: {  	[sflag:s23] =	ssyncset.done $0x0  }
0x46: {  	s11 =	simm.s32 $0x280;
	[sflag:s23] =	ssyncadd.s32 $0xFFFFC000  }
0x47: {  	[tilespmem:s22], [sflag:$0x1] =	stream.indirect.gather [hbm4b:s1+s25], $0x80, s11, s25, $0xb8;
	[tilespmem:$0x1E400] =	vst v63  }
0x48: {  	_ =	swait.ge [sflag:s26], $0x4000  }
0x49: {  	[sflag:s26] =	ssyncset.done $0x0  }
0x4a: {  	s12 =	simm.s32 $0x1680;
	[sflag:s26] =	ssyncadd.s32 $0xFFFFC000  }
0x4b: {  	[spmem:s3] =	stream.indirect.scatter.add.f32 [tilespmem:s22], [sflag:$0x3], $0x80, s12, s25, $0xb8;
	[tilespmem:$0x1E400] =	vst v63  }
0x4c: {  	_ =	swait.ge [sflag:s23], $0x4000  }
0x4d: {  	[sflag:s23] =	ssyncset.done $0x0  }
0x4e: {  	s11 =	simm.s32 $0x300;
	[sflag:s23] =	ssyncadd.s32 $0xFFFFC000  }
0x4f: {  	[tilespmem:s22], [sflag:$0x1] =	stream.indirect.gather [hbm4b:s1+s25], $0x80, s11, s25, $0xb8;
	[tilespmem:$0x1E400] =	vst v63  }
0x50: {  	_ =	swait.ge [sflag:s26], $0x4000  }
0x51: {  	[sflag:s26] =	ssyncset.done $0x0  }
0x52: {  	s12 =	simm.s32 $0x1700;
	[sflag:s26] =	ssyncadd.s32 $0xFFFFC000  }
0x53: {  	[spmem:s3] =	stream.indirect.scatter.add.f32 [tilespmem:s22], [sflag:$0x3], $0x80, s12, s25, $0xb8;
	[tilespmem:$0x1E400] =	vst v63  }
0x54: {  	_ =	swait.ge [sflag:s23], $0x4000  }
0x55: {  	[sflag:s23] =	ssyncset.done $0x0  }
0x56: {  	s11 =	simm.s32 $0x380;
	[sflag:s23] =	ssyncadd.s32 $0xFFFFC000  }
0x57: {  	[tilespmem:s22], [sflag:$0x1] =	stream.indirect.gather [hbm4b:s1+s25], $0x80, s11, s25, $0xb8;
	[tilespmem:$0x1E400] =	vst v63  }
0x58: {  	_ =	swait.ge [sflag:s26], $0x4000  }
0x59: {  	[sflag:s26] =	ssyncset.done $0x0  }
0x5a: {  	s12 =	simm.s32 $0x1780;
	[sflag:s26] =	ssyncadd.s32 $0xFFFFC000  }
0x5b: {  	[spmem:s3] =	stream.indirect.scatter.add.f32 [tilespmem:s22], [sflag:$0x3], $0x80, s12, s25, $0xb8;
	[tilespmem:$0x1E400] =	vst v63  }
0x5c: {  	_ =	swait.ge [sflag:s23], $0x4000  }
0x5d: {  	[sflag:s23] =	ssyncset.done $0x0  }
0x5e: {  	s11 =	simm.s32 $0x400;
	[sflag:s23] =	ssyncadd.s32 $0xFFFFC000  }
0x5f: {  	[tilespmem:s22], [sflag:$0x1] =	stream.indirect.gather [hbm4b:s1+s25], $0x80, s11, s25, $0xb8;
	[tilespmem:$0x1E400] =	vst v63  }
0x60: {  	_ =	swait.ge [sflag:s26], $0x4000  }
0x61: {  	[sflag:s26] =	ssyncset.done $0x0  }
0x62: {  	s12 =	simm.s32 $0x1800;
	[sflag:s26] =	ssyncadd.s32 $0xFFFFC000  }
0x63: {  	[spmem:s3] =	stream.indirect.scatter.add.f32 [tilespmem:s22], [sflag:$0x3], $0x80, s12, s25, $0xb8;
	[tilespmem:$0x1E400] =	vst v63  }
0x64: {  	_ =	swait.ge [sflag:s23], $0x4000  }
0x65: {  	[sflag:s23] =	ssyncset.done $0x0  }
0x66: {  	s11 =	simm.s32 $0x480;
	[sflag:s23] =	ssyncadd.s32 $0xFFFFC000  }
0x67: {  	[tilespmem:s22], [sflag:$0x1] =	stream.indirect.gather [hbm4b:s1+s25], $0x80, s11, s25, $0xb8;
	[tilespmem:$0x1E400] =	vst v63  }
0x68: {  	_ =	swait.ge [sflag:s26], $0x4000  }
0x69: {  	[sflag:s26] =	ssyncset.done $0x0  }
0x6a: {  	s12 =	simm.s32 $0x1880;
	[sflag:s26] =	ssyncadd.s32 $0xFFFFC000  }
0x6b: {  	[spmem:s3] =	stream.indirect.scatter.add.f32 [tilespmem:s22], [sflag:$0x3], $0x80, s12, s25, $0xb8;
	[tilespmem:$0x1E400] =	vst v63  }
0x6c: {  	_ =	swait.ge [sflag:s23], $0x4000  }
0x6d: {  	[sflag:s23] =	ssyncset.done $0x0  }
0x6e: {  	s11 =	simm.s32 $0x500;
	[sflag:s23] =	ssyncadd.s32 $0xFFFFC000  }
0x6f: {  	[tilespmem:s22], [sflag:$0x1] =	stream.indirect.gather [hbm4b:s1+s25], $0x80, s11, s25, $0xb8;
	[tilespmem:$0x1E400] =	vst v63  }
0x70: {  	_ =	swait.ge [sflag:s26], $0x4000  }
0x71: {  	[sflag:s26] =	ssyncset.done $0x0  }
0x72: {  	s12 =	simm.s32 $0x1900;
	[sflag:s26] =	ssyncadd.s32 $0xFFFFC000  }
0x73: {  	[spmem:s3] =	stream.indirect.scatter.add.f32 [tilespmem:s22], [sflag:$0x3], $0x80, s12, s25, $0xb8;
	[tilespmem:$0x1E400] =	vst v63  }
0x74: {  	_ =	swait.ge [sflag:s23], $0x4000  }
0x75: {  	[sflag:s23] =	ssyncset.done $0x0  }
0x76: {  	s11 =	simm.s32 $0x580;
	[sflag:s23] =	ssyncadd.s32 $0xFFFFC000  }
0x77: {  	[tilespmem:s22], [sflag:$0x1] =	stream.indirect.gather [hbm4b:s1+s25], $0x80, s11, s25, $0xb8;
	[tilespmem:$0x1E400] =	vst v63  }
0x78: {  	_ =	swait.ge [sflag:s26], $0x4000  }
0x79: {  	[sflag:s26] =	ssyncset.done $0x0  }
0x7a: {  	s12 =	simm.s32 $0x1980;
	[sflag:s26] =	ssyncadd.s32 $0xFFFFC000  }
0x7b: {  	[spmem:s3] =	stream.indirect.scatter.add.f32 [tilespmem:s22], [sflag:$0x3], $0x80, s12, s25, $0xb8;
	[tilespmem:$0x1E400] =	vst v63  }
.LBB2_14:
0x7c: {  	_ =	swait.ge [sflag:s23], $0x4000  }
0x7d: {  	s10 =	sshll.u32 s2, $0x6;
	s28 =	sadd.s32 $0x1, s28;
	[sflag:s23] =	ssyncset.done $0x0  }
0x7e: {  	s11 =	sshrl.u32 s5, $0x3;
	p1 =	sne.s32 s28, s21;
	[sflag:s23] =	ssyncadd.s32 $0xFFFFC000  }
.Ltmp1:
0x7f: {  	s10 =	sor.u32 $0x1C03, s10;
	[bflag:$0x0] =	sbarrier.arrive $0xFFFF;
	(pc) =	sbr.rel @!p1 .LBB2_15-.Ltmp1, $4  }
0x80: {  	[hbm:s20], [sflag:s10] =	dma.local [spmem:s11], $0x2780  }
0x81: {  	_ =	swait.ge [sflag:s23], $0x2780  }
0x82: {  	[sflag:s23] =	ssyncset.done $0x0  }
0x83: {  	[sflag:s23] =	ssyncadd.s32 $0xFFFFD880  }
.LBB2_1:
0x84: {  	s10 =	simm.s32 $0x0;
	s11 =	simm.s32 $0x200  }
.LBB2_2:
0x85: {  	p1 =	sne.s32 s11, $0xFE00;
	[tilespmem:s10+$0x2870] =	vst v0  }
0x86: {  	[tilespmem:s10+$0x2800] =	vst v0  }
0x87: {  	[tilespmem:s10+$0x2810] =	vst v0  }
.Ltmp2:
0x88: {  	[tilespmem:s10+$0x2820] =	vst v0;
	(pc) =	sbr.rel @p1 .LBB2_2-.Ltmp2, $4  }
0x89: {  	[tilespmem:s10+$0x2830] =	vst v0  }
0x8a: {  	[tilespmem:s10+$0x2840] =	vst v0  }
0x8b: {  	[tilespmem:s10+$0x2850] =	vst v0  }
0x8c: {  	[tilespmem:s10+$0x2860] =	vst v0;
	s10 =	sshra.s32 s11, $0x2;
	s11 =	sadd.s32 $0x200, s11  }
0x8d: {  	[tilespmem:s10+$0x2870] =	vst v0  }
0x8e: {  	[tilespmem:s10+$0x2800] =	vst v0  }
0x8f: {  	[tilespmem:s10+$0x2810] =	vst v0  }
0x90: {  	[tilespmem:s10+$0x2820] =	vst v0  }
0x91: {  	[tilespmem:s10+$0x2830] =	vst v0  }
0x92: {  	[tilespmem:s10+$0x2840] =	vst v0  }
0x93: {  	[tilespmem:s10+$0x2850] =	vst v0  }
0x94: {  	[tilespmem:s10+$0x2860] =	vst v0  }
0x95: {  	[spmem:s5] =	stream.linear.scatter [tilespmem:s22], [sflag:$0x3], $0x4000, $0x38;
	[tilespmem:$0x1E400] =	vst v63  }
0x96: {  	_ =	swait.ge [sflag:s23], $0x4000  }
0x97: {  	[sflag:s23] =	ssyncset.done $0x0  }
0x98: {  	[sflag:s23] =	ssyncadd.s32 $0xFFFFC000  }
0x99: {  	[spmem:s6] =	stream.linear.scatter [tilespmem:s22], [sflag:$0x3], $0x4000, $0x38;
	[tilespmem:$0x1E400] =	vst v63  }
0x9a: {  	_ =	swait.ge [sflag:s23], $0x4000  }
0x9b: {  	[sflag:s23] =	ssyncset.done $0x0  }
0x9c: {  	[sflag:s23] =	ssyncadd.s32 $0xFFFFC000  }
0x9d: {  	[spmem:s7] =	stream.linear.scatter [tilespmem:s22], [sflag:$0x3], $0x4000, $0x38;
	[tilespmem:$0x1E400] =	vst v63  }
0x9e: {  	_ =	swait.ge [sflag:s23], $0x4000  }
0x9f: {  	[sflag:s23] =	ssyncset.done $0x0  }
0xa0: {  	[sflag:s23] =	ssyncadd.s32 $0xFFFFC000  }
0xa1: {  	[spmem:s8] =	stream.linear.scatter [tilespmem:s22], [sflag:$0x3], $0x4000, $0x38;
	[tilespmem:$0x1E400] =	vst v63  }
0xa2: {  	_ =	swait.ge [sflag:s23], $0x4000  }
0xa3: {  	[sflag:s23] =	ssyncset.done $0x0  }
0xa4: {  	[sflag:s23] =	ssyncadd.s32 $0xFFFFC000  }
0xa5: {  	[spmem:s9] =	stream.linear.scatter [tilespmem:s22], [sflag:$0x3], $0x3C00, $0x38;
	[tilespmem:$0x1E400] =	vst v63  }
.Ltmp3:
0xa6: {  	_ =	swait.ge [sflag:s23], $0x3C00;
	(pc) =	sbr.rel @p0 .LBB2_13-.Ltmp3, $3  }
0xa7: {  	[sflag:s23] =	ssyncset.done $0x0  }
0xa8: {  	[sflag:s23] =	ssyncadd.s32 $0xFFFFC400  }
0xa9: {  	[bflag:$0x0] =	sbarrier.arrive $0xFFFF;
	_ =	sdelay $0x1  }
0xaa: {  	s10 =	simm.s32 $0x0;
	s11 =	rddreg [dreg:$0x5]  }
0xab: {  	[tilespmem:s10], [sflag:$0x3] =	stream.linear.gather [hbm4b:s11+s10], $0x1400, $0x38;
	[tilespmem:$0x1E400] =	vst v63  }
0xac: {  	_ =	swait.ge [sflag:s23], $0x1400  }
0xad: {  	[sflag:s23] =	ssyncset.done $0x0  }
0xae: {  	s12 =	rddreg [dreg:$0x6];
	[sflag:s23] =	ssyncadd.s32 $0xFFFFEC00  }
0xaf: {  	[tilespmem:s24], [sflag:$0x3] =	stream.linear.gather [hbm4b:s12+s10], $0x1400, $0x38;
	[tilespmem:$0x1E400] =	vst v63  }
0xb0: {  	_ =	swait.ge [sflag:s23], $0x1400  }
0xb1: {  	[sflag:s23] =	ssyncset.done $0x0  }
0xb2: {  	[sflag:s23] =	ssyncadd.s32 $0xFFFFEC00  }
0xb3: {  	[tilespmem:s22], [sflag:$0x1] =	stream.indirect.gather [hbm4b:s1+s25], $0x80, s10, s25, $0xb8;
	[tilespmem:$0x1E400] =	vst v63  }
0xb4: {  	_ = 	snop  }
0xb5: {  	[tilespmem:s29], [sflag:$0x2] =	stream.indirect.gather [hbm4b:s1+s25], $0x80, s25, s25, $0xb8;
	[tilespmem:$0x1E400] =	vst v63  }
0xb6: {  	_ =	swait.ge [sflag:s26], $0x4000  }
0xb7: {  	[sflag:s26] =	ssyncset.done $0x0  }
0xb8: {  	s12 =	simm.s32 $0x1400;
	[sflag:s26] =	ssyncadd.s32 $0xFFFFC000  }
0xb9: {  	[spmem:s3] =	stream.indirect.scatter.add.f32 [tilespmem:s22], [sflag:$0x3], $0x80, s12, s25, $0xb8;
	[tilespmem:$0x1E400] =	vst v63  }
0xba: {  	_ =	swait.ge [sflag:s23], $0x4000  }
0xbb: {  	[sflag:s23] =	ssyncset.done $0x0  }
0xbc: {  	s11 =	simm.s32 $0x100;
	[sflag:s23] =	ssyncadd.s32 $0xFFFFC000  }
0xbd: {  	[tilespmem:s22], [sflag:$0x1] =	stream.indirect.gather [hbm4b:s1+s25], $0x80, s11, s25, $0xb8;
	[tilespmem:$0x1E400] =	vst v63  }
0xbe: {  	_ =	swait.ge [sflag:s30], $0x4000  }
0xbf: {  	[sflag:s30] =	ssyncset.done $0x0  }
0xc0: {  	s12 =	simm.s32 $0x1480;
	[sflag:s30] =	ssyncadd.s32 $0xFFFFC000  }
0xc1: {  	[spmem:s3] =	stream.indirect.scatter.add.f32 [tilespmem:s29], [sflag:$0x3], $0x80, s12, s25, $0xb8;
	[tilespmem:$0x1E400] =	vst v63  }
0xc2: {  	_ =	swait.ge [sflag:s23], $0x4000  }
0xc3: {  	[sflag:s23] =	ssyncset.done $0x0  }
0xc4: {  	s10 =	simm.s32 $0x400;
	s11 =	simm.s32 $0x180;
	[sflag:s23] =	ssyncadd.s32 $0xFFFFC000  }
.LBB2_5:
0xc5: {  	[tilespmem:s29], [sflag:$0x2] =	stream.indirect.gather [hbm4b:s1+s25], $0x80, s11, s25, $0xb8;
	[tilespmem:$0x1E400] =	vst v63  }
0xc6: {  	s11 =	smov.u32 s10  }
0xc7: {  	p1 =	sne.s32 s10, $0x4800;
	s10 =	sadd.s32 $0x400, s10;
	_ =	swait.ge [sflag:s26], $0x4000  }
0xc8: {  	s11 =	sshra.s32 s11, $0x2;
	[sflag:s26] =	ssyncset.done $0x0  }
0xc9: {  	s12 =	sadd.s32 $0x1400, s11;
	[sflag:s26] =	ssyncadd.s32 $0xFFFFC000  }
0xca: {  	[spmem:s3] =	stream.indirect.scatter.add.f32 [tilespmem:s22], [sflag:$0x3], $0x80, s12, s25, $0xb8;
	[tilespmem:$0x1E400] =	vst v63  }
0xcb: {  	_ =	swait.ge [sflag:s23], $0x4000  }
0xcc: {  	[sflag:s23] =	ssyncset.done $0x0  }
0xcd: {  	s12 =	sadd.s32 $0x100, s11;
	[sflag:s23] =	ssyncadd.s32 $0xFFFFC000  }
0xce: {  	[tilespmem:s22], [sflag:$0x1] =	stream.indirect.gather [hbm4b:s1+s25], $0x80, s12, s25, $0xb8;
	[tilespmem:$0x1E400] =	vst v63  }
0xcf: {  	_ =	swait.ge [sflag:s30], $0x4000  }
0xd0: {  	[sflag:s30] =	ssyncset.done $0x0  }
.Ltmp4:
0xd1: {  	s12 =	sadd.s32 $0x1480, s11;
	[sflag:s30] =	ssyncadd.s32 $0xFFFFC000;
	(pc) =	sbr.rel @p1 .LBB2_5-.Ltmp4, $4  }
0xd2: {  	[spmem:s3] =	stream.indirect.scatter.add.f32 [tilespmem:s29], [sflag:$0x3], $0x80, s12, s25, $0xb8;
	[tilespmem:$0x1E400] =	vst v63  }
0xd3: {  	_ =	swait.ge [sflag:s23], $0x4000  }
0xd4: {  	[sflag:s23] =	ssyncset.done $0x0  }
0xd5: {  	s11 =	sadd.s32 $0x180, s11;
	[sflag:s23] =	ssyncadd.s32 $0xFFFFC000  }
0xd6: {  	[tilespmem:s29], [sflag:$0x2] =	stream.indirect.gather [hbm4b:s1+s25], $0x80, s11, s25, $0xb8;
	[tilespmem:$0x1E400] =	vst v63  }
0xd7: {  	_ =	swait.ge [sflag:s26], $0x4000  }
0xd8: {  	[sflag:s26] =	ssyncset.done $0x0  }
0xd9: {  	[sflag:s26] =	ssyncadd.s32 $0xFFFFC000  }
0xda: {  	[spmem:s3] =	stream.indirect.scatter.add.f32 [tilespmem:s22], [sflag:$0x3], $0x80, s31, s25, $0xb8;
	[tilespmem:$0x1E400] =	vst v63  }
0xdb: {  	_ =	swait.ge [sflag:s23], $0x4000  }
0xdc: {  	[sflag:s23] =	ssyncset.done $0x0  }
0xdd: {  	[sflag:s23] =	ssyncadd.s32 $0xFFFFC000  }
0xde: {  	_ =	swait.ge [sflag:s30], $0x4000  }
0xdf: {  	[sflag:s30] =	ssyncset.done $0x0  }
0xe0: {  	[sflag:s30] =	ssyncadd.s32 $0xFFFFC000  }
0xe1: {  	[spmem:s3] =	stream.indirect.scatter.add.f32 [tilespmem:s29], [sflag:$0x3], $0x80, s0, s25, $0xb8;
	[tilespmem:$0x1E400] =	vst v63  }
0xe2: {  	_ =	swait.ge [sflag:s23], $0x4000  }
0xe3: {  	[sflag:s23] =	ssyncset.done $0x0  }
0xe4: {  	s10 =	simm.s32 $0x0;
	s12 =	rddreg [dreg:$0x7];
	[sflag:s23] =	ssyncadd.s32 $0xFFFFC000  }
0xe5: {  	[tilespmem:s10], [sflag:$0x3] =	stream.linear.gather [hbm4b:s12+s10], $0x1400, $0x38;
	[tilespmem:$0x1E400] =	vst v63  }
0xe6: {  	_ =	swait.ge [sflag:s23], $0x1400  }
0xe7: {  	[sflag:s23] =	ssyncset.done $0x0  }
0xe8: {  	[sflag:s23] =	ssyncadd.s32 $0xFFFFEC00  }
0xe9: {  	[tilespmem:s24], [sflag:$0x3] =	stream.linear.gather [hbm4b:s13+s10], $0x1400, $0x38;
	[tilespmem:$0x1E400] =	vst v63  }
0xea: {  	_ =	swait.ge [sflag:s23], $0x1400  }
0xeb: {  	[sflag:s23] =	ssyncset.done $0x0  }
0xec: {  	[sflag:s23] =	ssyncadd.s32 $0xFFFFEC00  }
0xed: {  	[tilespmem:s22], [sflag:$0x1] =	stream.indirect.gather [hbm4b:s1+s25], $0x80, s10, s25, $0xb8;
	[tilespmem:$0x1E400] =	vst v63  }
0xee: {  	_ = 	snop  }
0xef: {  	[tilespmem:s29], [sflag:$0x2] =	stream.indirect.gather [hbm4b:s1+s25], $0x80, s25, s25, $0xb8;
	[tilespmem:$0x1E400] =	vst v63  }
0xf0: {  	_ =	swait.ge [sflag:s26], $0x4000  }
0xf1: {  	[sflag:s26] =	ssyncset.done $0x0  }
0xf2: {  	s12 =	simm.s32 $0x1400;
	[sflag:s26] =	ssyncadd.s32 $0xFFFFC000  }
0xf3: {  	[spmem:s3] =	stream.indirect.scatter.add.f32 [tilespmem:s22], [sflag:$0x3], $0x80, s12, s25, $0xb8;
	[tilespmem:$0x1E400] =	vst v63  }
0xf4: {  	_ =	swait.ge [sflag:s23], $0x4000  }
0xf5: {  	[sflag:s23] =	ssyncset.done $0x0  }
0xf6: {  	s11 =	simm.s32 $0x100;
	[sflag:s23] =	ssyncadd.s32 $0xFFFFC000  }
0xf7: {  	[tilespmem:s22], [sflag:$0x1] =	stream.indirect.gather [hbm4b:s1+s25], $0x80, s11, s25, $0xb8;
	[tilespmem:$0x1E400] =	vst v63  }
0xf8: {  	_ =	swait.ge [sflag:s30], $0x4000  }
0xf9: {  	[sflag:s30] =	ssyncset.done $0x0  }
0xfa: {  	s12 =	simm.s32 $0x1480;
	[sflag:s30] =	ssyncadd.s32 $0xFFFFC000  }
0xfb: {  	[spmem:s3] =	stream.indirect.scatter.add.f32 [tilespmem:s29], [sflag:$0x3], $0x80, s12, s25, $0xb8;
	[tilespmem:$0x1E400] =	vst v63  }
0xfc: {  	_ =	swait.ge [sflag:s23], $0x4000  }
0xfd: {  	[sflag:s23] =	ssyncset.done $0x0  }
0xfe: {  	s10 =	simm.s32 $0x400;
	s11 =	simm.s32 $0x180;
	[sflag:s23] =	ssyncadd.s32 $0xFFFFC000  }
.LBB2_7:
0xff: {  	[tilespmem:s29], [sflag:$0x2] =	stream.indirect.gather [hbm4b:s1+s25], $0x80, s11, s25, $0xb8;
	[tilespmem:$0x1E400] =	vst v63  }
0x100: {  	s11 =	smov.u32 s10  }
0x101: {  	p1 =	sne.s32 s10, $0x4800;
	s10 =	sadd.s32 $0x400, s10;
	_ =	swait.ge [sflag:s26], $0x4000  }
0x102: {  	s11 =	sshra.s32 s11, $0x2;
	[sflag:s26] =	ssyncset.done $0x0  }
0x103: {  	s12 =	sadd.s32 $0x1400, s11;
	[sflag:s26] =	ssyncadd.s32 $0xFFFFC000  }
0x104: {  	[spmem:s3] =	stream.indirect.scatter.add.f32 [tilespmem:s22], [sflag:$0x3], $0x80, s12, s25, $0xb8;
	[tilespmem:$0x1E400] =	vst v63  }
0x105: {  	_ =	swait.ge [sflag:s23], $0x4000  }
0x106: {  	[sflag:s23] =	ssyncset.done $0x0  }
0x107: {  	s12 =	sadd.s32 $0x100, s11;
	[sflag:s23] =	ssyncadd.s32 $0xFFFFC000  }
0x108: {  	[tilespmem:s22], [sflag:$0x1] =	stream.indirect.gather [hbm4b:s1+s25], $0x80, s12, s25, $0xb8;
	[tilespmem:$0x1E400] =	vst v63  }
0x109: {  	_ =	swait.ge [sflag:s30], $0x4000  }
0x10a: {  	[sflag:s30] =	ssyncset.done $0x0  }
.Ltmp5:
0x10b: {  	s12 =	sadd.s32 $0x1480, s11;
	[sflag:s30] =	ssyncadd.s32 $0xFFFFC000;
	(pc) =	sbr.rel @p1 .LBB2_7-.Ltmp5, $4  }
0x10c: {  	[spmem:s3] =	stream.indirect.scatter.add.f32 [tilespmem:s29], [sflag:$0x3], $0x80, s12, s25, $0xb8;
	[tilespmem:$0x1E400] =	vst v63  }
0x10d: {  	_ =	swait.ge [sflag:s23], $0x4000  }
0x10e: {  	[sflag:s23] =	ssyncset.done $0x0  }
0x10f: {  	s11 =	sadd.s32 $0x180, s11;
	[sflag:s23] =	ssyncadd.s32 $0xFFFFC000  }
0x110: {  	[tilespmem:s29], [sflag:$0x2] =	stream.indirect.gather [hbm4b:s1+s25], $0x80, s11, s25, $0xb8;
	[tilespmem:$0x1E400] =	vst v63  }
0x111: {  	_ =	swait.ge [sflag:s26], $0x4000  }
0x112: {  	[sflag:s26] =	ssyncset.done $0x0  }
0x113: {  	[sflag:s26] =	ssyncadd.s32 $0xFFFFC000  }
0x114: {  	[spmem:s3] =	stream.indirect.scatter.add.f32 [tilespmem:s22], [sflag:$0x3], $0x80, s31, s25, $0xb8;
	[tilespmem:$0x1E400] =	vst v63  }
0x115: {  	_ =	swait.ge [sflag:s23], $0x4000  }
0x116: {  	[sflag:s23] =	ssyncset.done $0x0  }
0x117: {  	[sflag:s23] =	ssyncadd.s32 $0xFFFFC000  }
0x118: {  	_ =	swait.ge [sflag:s30], $0x4000  }
0x119: {  	[sflag:s30] =	ssyncset.done $0x0  }
0x11a: {  	[sflag:s30] =	ssyncadd.s32 $0xFFFFC000  }
0x11b: {  	[spmem:s3] =	stream.indirect.scatter.add.f32 [tilespmem:s29], [sflag:$0x3], $0x80, s0, s25, $0xb8;
	[tilespmem:$0x1E400] =	vst v63  }
0x11c: {  	_ =	swait.ge [sflag:s23], $0x4000  }
0x11d: {  	[sflag:s23] =	ssyncset.done $0x0  }
0x11e: {  	s10 =	simm.s32 $0x0;
	[sflag:s23] =	ssyncadd.s32 $0xFFFFC000  }
0x11f: {  	[tilespmem:s10], [sflag:$0x3] =	stream.linear.gather [hbm4b:s14+s10], $0x1400, $0x38;
	[tilespmem:$0x1E400] =	vst v63  }
0x120: {  	_ =	swait.ge [sflag:s23], $0x1400  }
0x121: {  	[sflag:s23] =	ssyncset.done $0x0  }
0x122: {  	[sflag:s23] =	ssyncadd.s32 $0xFFFFEC00  }
0x123: {  	[tilespmem:s24], [sflag:$0x3] =	stream.linear.gather [hbm4b:s15+s10], $0x1400, $0x38;
	[tilespmem:$0x1E400] =	vst v63  }
0x124: {  	_ =	swait.ge [sflag:s23], $0x1400  }
0x125: {  	[sflag:s23] =	ssyncset.done $0x0  }
0x126: {  	[sflag:s23] =	ssyncadd.s32 $0xFFFFEC00  }
0x127: {  	[tilespmem:s22], [sflag:$0x1] =	stream.indirect.gather [hbm4b:s1+s25], $0x80, s10, s25, $0xb8;
	[tilespmem:$0x1E400] =	vst v63  }
0x128: {  	_ = 	snop  }
0x129: {  	[tilespmem:s29], [sflag:$0x2] =	stream.indirect.gather [hbm4b:s1+s25], $0x80, s25, s25, $0xb8;
	[tilespmem:$0x1E400] =	vst v63  }
0x12a: {  	_ =	swait.ge [sflag:s26], $0x4000  }
0x12b: {  	[sflag:s26] =	ssyncset.done $0x0  }
0x12c: {  	s12 =	simm.s32 $0x1400;
	[sflag:s26] =	ssyncadd.s32 $0xFFFFC000  }
0x12d: {  	[spmem:s3] =	stream.indirect.scatter.add.f32 [tilespmem:s22], [sflag:$0x3], $0x80, s12, s25, $0xb8;
	[tilespmem:$0x1E400] =	vst v63  }
0x12e: {  	_ =	swait.ge [sflag:s23], $0x4000  }
0x12f: {  	[sflag:s23] =	ssyncset.done $0x0  }
0x130: {  	s11 =	simm.s32 $0x100;
	[sflag:s23] =	ssyncadd.s32 $0xFFFFC000  }
0x131: {  	[tilespmem:s22], [sflag:$0x1] =	stream.indirect.gather [hbm4b:s1+s25], $0x80, s11, s25, $0xb8;
	[tilespmem:$0x1E400] =	vst v63  }
0x132: {  	_ =	swait.ge [sflag:s30], $0x4000  }
0x133: {  	[sflag:s30] =	ssyncset.done $0x0  }
0x134: {  	s12 =	simm.s32 $0x1480;
	[sflag:s30] =	ssyncadd.s32 $0xFFFFC000  }
0x135: {  	[spmem:s3] =	stream.indirect.scatter.add.f32 [tilespmem:s29], [sflag:$0x3], $0x80, s12, s25, $0xb8;
	[tilespmem:$0x1E400] =	vst v63  }
0x136: {  	_ =	swait.ge [sflag:s23], $0x4000  }
0x137: {  	[sflag:s23] =	ssyncset.done $0x0  }
0x138: {  	s10 =	simm.s32 $0x400;
	s11 =	simm.s32 $0x180;
	[sflag:s23] =	ssyncadd.s32 $0xFFFFC000  }
.LBB2_9:
0x139: {  	[tilespmem:s29], [sflag:$0x2] =	stream.indirect.gather [hbm4b:s1+s25], $0x80, s11, s25, $0xb8;
	[tilespmem:$0x1E400] =	vst v63  }
0x13a: {  	s11 =	smov.u32 s10  }
0x13b: {  	p1 =	sne.s32 s10, $0x4800;
	s10 =	sadd.s32 $0x400, s10;
	_ =	swait.ge [sflag:s26], $0x4000  }
0x13c: {  	s11 =	sshra.s32 s11, $0x2;
	[sflag:s26] =	ssyncset.done $0x0  }
0x13d: {  	s12 =	sadd.s32 $0x1400, s11;
	[sflag:s26] =	ssyncadd.s32 $0xFFFFC000  }
0x13e: {  	[spmem:s3] =	stream.indirect.scatter.add.f32 [tilespmem:s22], [sflag:$0x3], $0x80, s12, s25, $0xb8;
	[tilespmem:$0x1E400] =	vst v63  }
0x13f: {  	_ =	swait.ge [sflag:s23], $0x4000  }
0x140: {  	[sflag:s23] =	ssyncset.done $0x0  }
0x141: {  	s12 =	sadd.s32 $0x100, s11;
	[sflag:s23] =	ssyncadd.s32 $0xFFFFC000  }
0x142: {  	[tilespmem:s22], [sflag:$0x1] =	stream.indirect.gather [hbm4b:s1+s25], $0x80, s12, s25, $0xb8;
	[tilespmem:$0x1E400] =	vst v63  }
0x143: {  	_ =	swait.ge [sflag:s30], $0x4000  }
0x144: {  	[sflag:s30] =	ssyncset.done $0x0  }
.Ltmp6:
0x145: {  	s12 =	sadd.s32 $0x1480, s11;
	[sflag:s30] =	ssyncadd.s32 $0xFFFFC000;
	(pc) =	sbr.rel @p1 .LBB2_9-.Ltmp6, $4  }
0x146: {  	[spmem:s3] =	stream.indirect.scatter.add.f32 [tilespmem:s29], [sflag:$0x3], $0x80, s12, s25, $0xb8;
	[tilespmem:$0x1E400] =	vst v63  }
0x147: {  	_ =	swait.ge [sflag:s23], $0x4000  }
0x148: {  	[sflag:s23] =	ssyncset.done $0x0  }
0x149: {  	s11 =	sadd.s32 $0x180, s11;
	[sflag:s23] =	ssyncadd.s32 $0xFFFFC000  }
0x14a: {  	[tilespmem:s29], [sflag:$0x2] =	stream.indirect.gather [hbm4b:s1+s25], $0x80, s11, s25, $0xb8;
	[tilespmem:$0x1E400] =	vst v63  }
0x14b: {  	_ =	swait.ge [sflag:s26], $0x4000  }
0x14c: {  	[sflag:s26] =	ssyncset.done $0x0  }
0x14d: {  	[sflag:s26] =	ssyncadd.s32 $0xFFFFC000  }
0x14e: {  	[spmem:s3] =	stream.indirect.scatter.add.f32 [tilespmem:s22], [sflag:$0x3], $0x80, s31, s25, $0xb8;
	[tilespmem:$0x1E400] =	vst v63  }
0x14f: {  	_ =	swait.ge [sflag:s23], $0x4000  }
0x150: {  	[sflag:s23] =	ssyncset.done $0x0  }
0x151: {  	[sflag:s23] =	ssyncadd.s32 $0xFFFFC000  }
0x152: {  	_ =	swait.ge [sflag:s30], $0x4000  }
0x153: {  	[sflag:s30] =	ssyncset.done $0x0  }
0x154: {  	[sflag:s30] =	ssyncadd.s32 $0xFFFFC000  }
0x155: {  	[spmem:s3] =	stream.indirect.scatter.add.f32 [tilespmem:s29], [sflag:$0x3], $0x80, s0, s25, $0xb8;
	[tilespmem:$0x1E400] =	vst v63  }
0x156: {  	_ =	swait.ge [sflag:s23], $0x4000  }
0x157: {  	[sflag:s23] =	ssyncset.done $0x0  }
0x158: {  	s10 =	simm.s32 $0x0;
	[sflag:s23] =	ssyncadd.s32 $0xFFFFC000  }
0x159: {  	[tilespmem:s10], [sflag:$0x3] =	stream.linear.gather [hbm4b:s16+s10], $0xD00, $0x38;
	[tilespmem:$0x1E400] =	vst v63  }
0x15a: {  	_ =	swait.ge [sflag:s23], $0xD00  }
0x15b: {  	[sflag:s23] =	ssyncset.done $0x0  }
0x15c: {  	[sflag:s23] =	ssyncadd.s32 $0xFFFFF300  }
0x15d: {  	[tilespmem:s24], [sflag:$0x3] =	stream.linear.gather [hbm4b:s17+s10], $0xD00, $0x38;
	[tilespmem:$0x1E400] =	vst v63  }
0x15e: {  	_ =	swait.ge [sflag:s23], $0xD00  }
0x15f: {  	[sflag:s23] =	ssyncset.done $0x0  }
0x160: {  	[sflag:s23] =	ssyncadd.s32 $0xFFFFF300  }
0x161: {  	[tilespmem:s22], [sflag:$0x1] =	stream.indirect.gather [hbm4b:s1+s25], $0x80, s10, s25, $0xb8;
	[tilespmem:$0x1E400] =	vst v63  }
0x162: {  	_ = 	snop  }
0x163: {  	[tilespmem:s29], [sflag:$0x2] =	stream.indirect.gather [hbm4b:s1+s25], $0x80, s25, s25, $0xb8;
	[tilespmem:$0x1E400] =	vst v63  }
0x164: {  	_ =	swait.ge [sflag:s26], $0x4000  }
0x165: {  	[sflag:s26] =	ssyncset.done $0x0  }
0x166: {  	s12 =	simm.s32 $0x1400;
	[sflag:s26] =	ssyncadd.s32 $0xFFFFC000  }
0x167: {  	[spmem:s3] =	stream.indirect.scatter.add.f32 [tilespmem:s22], [sflag:$0x3], $0x80, s12, s25, $0xb8;
	[tilespmem:$0x1E400] =	vst v63  }
0x168: {  	_ =	swait.ge [sflag:s23], $0x4000  }
0x169: {  	[sflag:s23] =	ssyncset.done $0x0  }
0x16a: {  	s11 =	simm.s32 $0x100;
	[sflag:s23] =	ssyncadd.s32 $0xFFFFC000  }
0x16b: {  	[tilespmem:s22], [sflag:$0x1] =	stream.indirect.gather [hbm4b:s1+s25], $0x80, s11, s25, $0xb8;
	[tilespmem:$0x1E400] =	vst v63  }
0x16c: {  	_ =	swait.ge [sflag:s30], $0x4000  }
0x16d: {  	[sflag:s30] =	ssyncset.done $0x0  }
0x16e: {  	s12 =	simm.s32 $0x1480;
	[sflag:s30] =	ssyncadd.s32 $0xFFFFC000  }
0x16f: {  	[spmem:s3] =	stream.indirect.scatter.add.f32 [tilespmem:s29], [sflag:$0x3], $0x80, s12, s25, $0xb8;
	[tilespmem:$0x1E400] =	vst v63  }
0x170: {  	_ =	swait.ge [sflag:s23], $0x4000  }
0x171: {  	[sflag:s23] =	ssyncset.done $0x0  }
0x172: {  	s10 =	simm.s32 $0x400;
	s11 =	simm.s32 $0x180;
	[sflag:s23] =	ssyncadd.s32 $0xFFFFC000  }
.LBB2_11:
0x173: {  	[tilespmem:s29], [sflag:$0x2] =	stream.indirect.gather [hbm4b:s1+s25], $0x80, s11, s25, $0xb8;
	[tilespmem:$0x1E400] =	vst v63  }
0x174: {  	s11 =	smov.u32 s10  }
0x175: {  	p1 =	sne.s32 s10, $0x2C00;
	s10 =	sadd.s32 $0x400, s10;
	_ =	swait.ge [sflag:s26], $0x4000  }
0x176: {  	s11 =	sshra.s32 s11, $0x2;
	[sflag:s26] =	ssyncset.done $0x0  }
0x177: {  	s12 =	sadd.s32 $0x1400, s11;
	[sflag:s26] =	ssyncadd.s32 $0xFFFFC000  }
0x178: {  	[spmem:s3] =	stream.indirect.scatter.add.f32 [tilespmem:s22], [sflag:$0x3], $0x80, s12, s25, $0xb8;
	[tilespmem:$0x1E400] =	vst v63  }
0x179: {  	_ =	swait.ge [sflag:s23], $0x4000  }
0x17a: {  	[sflag:s23] =	ssyncset.done $0x0  }
0x17b: {  	s12 =	sadd.s32 $0x100, s11;
	[sflag:s23] =	ssyncadd.s32 $0xFFFFC000  }
0x17c: {  	[tilespmem:s22], [sflag:$0x1] =	stream.indirect.gather [hbm4b:s1+s25], $0x80, s12, s25, $0xb8;
	[tilespmem:$0x1E400] =	vst v63  }
0x17d: {  	_ =	swait.ge [sflag:s30], $0x4000  }
0x17e: {  	[sflag:s30] =	ssyncset.done $0x0  }
.Ltmp7:
0x17f: {  	s12 =	sadd.s32 $0x1480, s11;
	[sflag:s30] =	ssyncadd.s32 $0xFFFFC000;
	(pc) =	sbr.rel @p1 .LBB2_11-.Ltmp7, $4  }
0x180: {  	[spmem:s3] =	stream.indirect.scatter.add.f32 [tilespmem:s29], [sflag:$0x3], $0x80, s12, s25, $0xb8;
	[tilespmem:$0x1E400] =	vst v63  }
0x181: {  	_ =	swait.ge [sflag:s23], $0x4000  }
0x182: {  	[sflag:s23] =	ssyncset.done $0x0  }
0x183: {  	s11 =	sadd.s32 $0x180, s11;
	[sflag:s23] =	ssyncadd.s32 $0xFFFFC000  }
0x184: {  	[tilespmem:s29], [sflag:$0x2] =	stream.indirect.gather [hbm4b:s1+s25], $0x80, s11, s25, $0xb8;
	[tilespmem:$0x1E400] =	vst v63  }
0x185: {  	_ =	swait.ge [sflag:s26], $0x4000  }
0x186: {  	[sflag:s26] =	ssyncset.done $0x0  }
0x187: {  	s10 =	simm.s32 $0x2000;
	[sflag:s26] =	ssyncadd.s32 $0xFFFFC000  }
0x188: {  	[spmem:s3] =	stream.indirect.scatter.add.f32 [tilespmem:s22], [sflag:$0x3], $0x80, s10, s25, $0xb8;
	[tilespmem:$0x1E400] =	vst v63  }
0x189: {  	_ =	swait.ge [sflag:s23], $0x4000  }
0x18a: {  	[sflag:s23] =	ssyncset.done $0x0  }
.Ltmp8:
0x18b: {  	[sflag:s23] =	ssyncadd.s32 $0xFFFFC000;
	(pc) =	sbr.rel .LBB2_14-.Ltmp8, $4  }
0x18c: {  	_ =	swait.ge [sflag:s30], $0x4000  }
0x18d: {  	[sflag:s30] =	ssyncset.done $0x0  }
0x18e: {  	s12 =	simm.s32 $0x2080;
	[sflag:s30] =	ssyncadd.s32 $0xFFFFC000  }
0x18f: {  	[spmem:s3] =	stream.indirect.scatter.add.f32 [tilespmem:s29], [sflag:$0x3], $0x80, s12, s25, $0xb8;
	[tilespmem:$0x1E400] =	vst v63  }
.LBB2_15:
0x190: {  	_ =	sfence.sel $0x180000  }
0x191: {  	[bflag:$0x0] =	sbarrier.arrive $0xFFFF  }
0x192: {  	_ =	strace $0x90000047  }
0x193: {  	[bflag:$0x2] =	sbarrier.arrive $0xFFFF  }
0x194: {  	p0 =	sne.s32 s2, $0x0;
	s0 =	rddreg [dreg:$0x4]  }
0x195: {  	s0 =	sadd.s32 @!p0 $0x100000, s0  }
0x196: {  	[sflag:s0] =	ssyncadd.tile.s32 @!p0 $0x1;
	_ =	shalt  }
.Lfunc_end2:
_tile_overlayer_lowered:
.L_overlay_start_2:
0x197: {  	(tag) =	ssettag $0x2  }
0x198: {  	s0 =	rddreg [dreg:$0x0];
	s2 =	stileid.u32  }
0x199: {  	s1 =	rddreg [dreg:$0x1];
	p0 =	sne.s32 s2, $0x0  }
0x19a: {  	s3 =	rddreg [dreg:$0x2];
	[bflag:$0x3] =	sbarrier.arrive $0xFFFF;
	s2 =	simm.s32 @!p0 $0x1C03  }
0x19b: {  	[timem:s3], [sflag:s2] =	dma.local @!p0 [hbm:s0], s1  }
0x19c: {  	s0 =	simm.s32 @!p0 $0x3  }
0x19d: {  	_ =	swait.ge @!p0 [sflag:s0], s1  }
0x19e: {  	s1 =	ssub.s32 @!p0 $0x0, s1;
	[sflag:s0] =	ssyncset.done @!p0 $0x0  }
0x19f: {  	[sflag:s0] =	ssyncadd.s32 @!p0 s1  }
0x1a0: {  	[bflag:$0x3] =	sbarrier.arrive $0xFFFF  }
0x1a1: {  	_ =	shalt  }

</sc_bundles>
